<compile_context>
chip_gen: v7x
topology: tpu7x:2x2x1
jax: 0.10.2.dev20260603
libtpu: 0.0.44.dev20260713+nightly
codegen_flags: <defaults>
</compile_context>

<pallas_src>
import jax
import jax.numpy as jnp
from jax.experimental import pallas as pl
from jax.experimental.pallas import tpu as pltpu
from jax.experimental.pallas import tpu_sc as plsc

_NCLS = 8
_N = 1000
_NPAD = 1024
_G = _NCLS * _NPAD
_CHUNK = 128
_TOPK = 100
_NOUT = 128
_NEG = -1e30
_BIG = 99999.0
_KEEP = 11.0
_FPAD = 32
_NW = 32
_PERW = _G // _NW


def _fiota(shape, axis):
    return jax.lax.broadcasted_iota(jnp.int32, shape, axis).astype(jnp.float32)


def _class_body(acol_ref, arow_ref, p_ref, pay_ref, scc_ref, scr_ref):
    A_c = acol_ref[0]
    A_r = arow_ref[0]
    P = p_ref[0]

    x1c, y1c, x2c, y2c = A_c[0:1, :], A_c[1:2, :], A_c[2:3, :], A_c[3:4, :]
    clsc, cfc = A_c[4:5, :], A_c[5:6, :]
    x1r, y1r, x2r, y2r = A_r[:, 0:1], A_r[:, 1:2], A_r[:, 2:3], A_r[:, 3:4]
    clsr, cfr, phr = A_r[:, 4:5], A_r[:, 5:6], A_r[:, 6:7]

    mx1 = jnp.maximum(x1r, x1c)
    my1 = jnp.maximum(y1r, y1c)
    mx2 = jnp.minimum(x2r, x2c)
    my2 = jnp.minimum(y2r, y2c)
    wid = mx2 - mx1 + 1.0
    hei = my2 - my1 + 1.0
    inter = wid * hei
    area_r = (x2r - x1r + 1.0) * (y2r - y1r + 1.0)
    area_c = (x2c - x1c + 1.0) * (y2c - y1c + 1.0)
    union = area_r + area_c - inter
    ov = jnp.where(union == 0.0, 0.0, inter / jnp.where(union == 0.0, 1.0, union))
    ov = jnp.where(wid <= 0.0, 0.0, ov)
    ov = jnp.where(hei <= 0.0, 0.0, ov)

    validr = clsr > 0.5
    validc = clsc > 0.5
    cond = (ov > 0.5) & validr & validc
    colio = _fiota((_NPAD, _NPAD), 1)
    rowio = _fiota((_NPAD, _NPAD), 0)

    jstar_r = jnp.min(jnp.where(cond, colio, _BIG), axis=1, keepdims=True)
    jstar_c = jnp.min(jnp.where(cond, rowio, _BIG), axis=0, keepdims=True)
    ovs_r = jnp.max(jnp.where(colio == jstar_r, ov, -1.0), axis=1, keepdims=True)
    ovs_c = jnp.max(jnp.where(rowio == jstar_c, ov, -1.0), axis=0, keepdims=True)
    key_r = (1.0 - ovs_r) * cfr
    key_c = (1.0 - ovs_c) * cfc
    mem_r = (jstar_r < _BIG) & (key_r != 0.0)
    mem_c = (jstar_c < _BIG) & (key_c != 0.0)

    samej = jstar_c == jstar_r
    less_cr = (key_c < key_r) | ((key_c == key_r) & (colio < rowio))
    rank_r = jnp.sum(jnp.where(samej & mem_c & less_cr, 1.0, 0.0), axis=1, keepdims=True)
    less_rc = (key_r < key_c) | ((key_r == key_c) & (rowio < colio))
    rank_c = jnp.sum(jnp.where(samej & mem_r & less_rc, 1.0, 0.0), axis=0, keepdims=True)
    sel_r = mem_r & (rank_r < _KEEP)
    sel_c = mem_c & (rank_c < _KEEP)

    W = jnp.where((rowio == jstar_c) & sel_c, 1.0, 0.0)
    Wt = jnp.where((colio == jstar_r) & sel_r, 1.0, 0.0)
    P_hi = P.astype(jnp.bfloat16).astype(jnp.float32)
    P_lo = P - P_hi
    sums = (jnp.dot(W, P_hi, preferred_element_type=jnp.float32) +
            jnp.dot(W, P_lo, preferred_element_type=jnp.float32))
    d_r = jnp.sum(W, axis=1, keepdims=True)
    d_c = jnp.sum(Wt, axis=0, keepdims=True)
    den = jnp.where(d_r == 0.0, 1.0, d_r)
    zero = d_r == 0.0
    poses_o = jnp.where(zero, 0.0, sums[:, 0:12] / den)
    boxes_o = jnp.where(zero, 0.0, sums[:, 12:16] / den)

    anyv = jnp.max(jnp.where(validc, 1.0, 0.0))
    riota = _fiota((_NPAD, 1), 0)
    ciota = _fiota((1, _NPAD), 1)
    real_r = riota < float(_N)
    keep_r = (d_r > 0.0) & validr & real_r
    keep_c = (d_c > 0.0) & validc & (ciota < float(_N))
    sc_r = jnp.where(keep_r, clsr, _NEG)
    sc_c = jnp.where(keep_c, clsc, _NEG)
    ph_on = anyv == 0.0
    sc_r = jnp.where((riota == float(_N)) & ph_on, phr, sc_r)
    sc_c = jnp.where((ciota == float(_N)) & ph_on, A_c[6:7, :], sc_c)
    scr_ref[0] = sc_r
    scc_ref[0] = sc_c

    cidf = jnp.full((_NPAD, 1), pl.program_id(0), jnp.float32)
    pay_box = jnp.where(keep_r, boxes_o, -1.0)
    pay_pos = jnp.where(keep_r, poses_o, -1.0)
    pay_scr = jnp.where(sc_r == _NEG, -1.0, sc_r)
    pay_lbl = jnp.where(keep_r, cidf, -1.0)
    pay_ref[0] = jnp.concatenate(
        [pay_box, pay_pos, pay_scr, pay_lbl,
         jnp.zeros((_NPAD, _FPAD - 18), jnp.float32)], axis=1)


def _rank_body(scol_ref, srow_ref, rank_ref):
    sc = scol_ref[0:1, :]
    sr = srow_ref[...]
    k = pl.program_id(0)
    rio = _fiota((_CHUNK, 1), 0) + k.astype(jnp.float32) * float(_CHUNK)
    cio = _fiota((_CHUNK, _G), 1)
    ahead = (sc > sr) | ((sc == sr) & (cio < rio))
    rank_ref[...] = jnp.sum(jnp.where(ahead, 1.0, 0.0), axis=1, keepdims=True)


def _sc_select_body(rank_hbm, pay_hbm, out_hbm, rank_v, rows_v, sem):
    cidx = jax.lax.axis_index("c")
    sidx = jax.lax.axis_index("s")
    wid = sidx * 2 + cidx
    base = wid * _PERW
    pltpu.sync_copy(rank_hbm.at[pl.ds(base, _PERW)], rank_v)
    pltpu.sync_copy(pay_hbm.at[pl.ds(base, _PERW)], rows_v)
    dump = _NOUT + wid

    copies = []
    for ch in range(_PERW // 16):
        rk = rank_v[pl.ds(ch * 16, 16)]
        slot = jnp.where(rk < _NOUT, rk, dump)
        copies.append(
            pltpu.async_copy(rows_v.at[pl.ds(ch * 16, 16)],
                             out_hbm.at[slot], sem))
    for c in copies:
        c.wait()


def kernel(boxes3D, boxes, classification, poses, confidence):
    del boxes3D
    f32 = jnp.float32
    bx = boxes.reshape(_N, _NCLS, 4).astype(f32)
    cls2 = classification.reshape(_N, _NCLS).astype(f32)
    cf2 = confidence.reshape(_N, _NCLS).astype(f32)
    ps2 = poses.reshape(_N, _NCLS, 12).astype(f32)
    ph_score = cls2[-1, -1]

    feat = jnp.stack(
        [bx[..., 0], bx[..., 1], bx[..., 2], bx[..., 3], cls2, cf2,
         jnp.broadcast_to(ph_score, (_N, _NCLS)), jnp.zeros((_N, _NCLS), f32)],
        axis=-1)
    feat = jnp.pad(feat, ((0, _NPAD - _N), (0, 0), (0, 0)))
    a_row = feat.transpose(1, 0, 2)
    a_col = feat.transpose(1, 2, 0)
    pmat = jnp.concatenate([ps2, bx], axis=-1)
    pmat = jnp.pad(pmat, ((0, _NPAD - _N), (0, 0), (0, 0))).transpose(1, 0, 2)

    pay, sc_c, sc_r = pl.pallas_call(
        _class_body,
        grid=(_NCLS,),
        in_specs=[
            pl.BlockSpec((1, 8, _NPAD), lambda c: (c, 0, 0)),
            pl.BlockSpec((1, _NPAD, 8), lambda c: (c, 0, 0)),
            pl.BlockSpec((1, _NPAD, 16), lambda c: (c, 0, 0)),
        ],
        out_specs=[
            pl.BlockSpec((1, _NPAD, _FPAD), lambda c: (c, 0, 0)),
            pl.BlockSpec((1, 1, _NPAD), lambda c: (c, 0, 0)),
            pl.BlockSpec((1, _NPAD, 1), lambda c: (c, 0, 0)),
        ],
        out_shape=[
            jax.ShapeDtypeStruct((_NCLS, _NPAD, _FPAD), f32),
            jax.ShapeDtypeStruct((_NCLS, 1, _NPAD), f32),
            jax.ShapeDtypeStruct((_NCLS, _NPAD, 1), f32),
        ],
    )(a_col, a_row, pmat)

    s_col = sc_c.reshape(1, _G)
    s_row = sc_r.reshape(_G, 1)

    rank = pl.pallas_call(
        _rank_body,
        grid=(_G // _CHUNK,),
        in_specs=[
            pl.BlockSpec((1, _G), lambda k: (0, 0)),
            pl.BlockSpec((_CHUNK, 1), lambda k: (k, 0)),
        ],
        out_specs=pl.BlockSpec((_CHUNK, 1), lambda k: (k, 0)),
        out_shape=jax.ShapeDtypeStruct((_G, 1), f32),
    )(s_col, s_row)

    rank_i = rank.reshape(_G).astype(jnp.int32)
    pay_flat = pay.reshape(_G, _FPAD)

    sc_select = pl.kernel(
        _sc_select_body,
        out_type=jax.ShapeDtypeStruct((_NOUT + _NW, _FPAD), f32),
        mesh=plsc.VectorSubcoreMesh(core_axis_name="c", subcore_axis_name="s",
                                    num_cores=2, num_subcores=16),
        compiler_params=pltpu.CompilerParams(use_tc_tiling_on_sc=False),
        scratch_types=[
            pltpu.VMEM((_PERW,), jnp.int32),
            pltpu.VMEM((_PERW, _FPAD), f32),
            pltpu.SemaphoreType.DMA,
        ],
    )
    out = sc_select(rank_i, pay_flat)[:_TOPK]

    return (out[:, 0:4], out[:, 16], out[:, 17].astype(jnp.int32),
            out[:, 4:16])

# --- scband reference (transcript-rebuilt; emitter-appended) ---
"""Pipeline reference for scband-filter-detections-76862734729357 (READ-ONLY COPY).

The authoritative reference and input builder live on the scoring server;
editing this copy changes nothing except your own understanding.
"""

import jax, jax.numpy as jnp
import numpy as np

NUM_CLASSES = 8
SCORE_THRESHOLD = 0.5
IOU_THRESHOLD = 0.5
POSE_HYPS = 10
MAX_DETECTIONS = 100


def setup_inputs(seed: int = 0):
    key = jax.random.key(seed)
    k1, k2, k3, k4, k5, k6 = jax.random.split(key, 6)
    B, N = 1, 1000
    boxes3D = jax.random.normal(k1, (B, N, NUM_CLASSES * 16), jnp.float32)
    xy = jax.random.uniform(k2, (B, N, NUM_CLASSES, 2), jnp.float32, 0.0, 448.0)
    wh = jax.random.uniform(k3, (B, N, NUM_CLASSES, 2), jnp.float32, 16.0, 64.0)
    boxes = jnp.concatenate([xy, xy + wh], axis=-1).reshape(B, N, NUM_CLASSES * 4)
    classification = jax.random.uniform(k4, (B, N, NUM_CLASSES), jnp.float32)
    poses = jax.random.normal(k5, (B, N, NUM_CLASSES * 12), jnp.float32)
    confidence = jax.random.uniform(k6, (B, N, NUM_CLASSES), jnp.float32)
    return {"boxes3D": boxes3D, "boxes": boxes, "classification": classification,
            "poses": poses, "confidence": confidence}


def _divide_no_nan(num, den):
    return jnp.where(den == 0.0, 0.0, num / jnp.where(den == 0.0, 1.0, den))


def _class_core(bx, ps, cf, valid):
    K = bx.shape[0]
    a0 = bx[None, :, :]
    b0 = bx[:, None, :]
    x1 = jnp.maximum(a0[..., 0], b0[..., 0])
    y1 = jnp.maximum(a0[..., 1], b0[..., 1])
    x2 = jnp.minimum(a0[..., 2], b0[..., 2])
    y2 = jnp.minimum(a0[..., 3], b0[..., 3])
    wid = x2 - x1 + 1.0
    hei = y2 - y1 + 1.0
    inter = wid * hei
    aarea = (a0[..., 2] - a0[..., 0] + 1.0) * (a0[..., 3] - a0[..., 1] + 1.0)
    barea = (b0[..., 2] - b0[..., 0] + 1.0) * (b0[..., 3] - b0[..., 1] + 1.0)
    union = aarea + barea - inter
    ovlap = _divide_no_nan(inter, union)
    ovlap = jnp.where(wid <= 0.0, 0.0, ovlap)
    ovlap = jnp.where(hei <= 0.0, 0.0, ovlap)
    pair_valid = valid[None, :] * valid[:, None]
    indicator = jnp.where(ovlap > IOU_THRESHOLD, 1.0, 0.0) * pair_valid
    max_col = jnp.argmax(indicator, axis=1)
    value_updates = jnp.max(indicator, axis=1)
    true_ovlaps = jnp.zeros((K, K), jnp.float32).at[max_col, jnp.arange(K)].add(value_updates)
    bc = (1.0 - ovlap) * true_ovlaps * cf
    bc = jnp.where(bc == 0.0, 1000.0, bc)
    sort_args = jnp.argsort(bc, axis=1)
    sort_conf = jnp.take_along_axis(bc, sort_args, axis=1)
    conf_mask = jnp.where(sort_conf == 1000.0, 0.0, 1.0)
    repeats = min(POSE_HYPS + 1, K)
    seq = (jnp.arange(K) < repeats).astype(jnp.float32)
    cm = conf_mask * seq[None, :]
    mask3 = cm[:, :, None]
    sorted_poses = ps[sort_args]
    filt_poses = mask3 * sorted_poses
    sorted_boxes = bx[sort_args]
    filt_boxes = mask3 * sorted_boxes
    d = jnp.sum(cm, axis=1)
    denom_p = jnp.tile(d[:, None], (1, 12))
    denom_b = jnp.tile(d[:, None], (1, 4))
    poses_out = _divide_no_nan(jnp.sum(filt_poses, axis=1), denom_p)
    boxes_out = _divide_no_nan(jnp.sum(filt_boxes, axis=1), denom_b)
    bool_mask = jnp.max(denom_b, axis=1) > 0.0
    return poses_out, boxes_out, bool_mask


def _full_forward(boxes3D, boxes, classification, poses, confidence):
    B, N = boxes3D.shape[0], boxes3D.shape[1]
    M = B * N
    cls2 = jnp.reshape(classification, (B * N, NUM_CLASSES))
    bx2 = jnp.reshape(boxes, (B * N, NUM_CLASSES, 4))
    ps2 = jnp.reshape(poses, (B * N, NUM_CLASSES, 12))
    cf2 = jnp.reshape(confidence, (B * N, NUM_CLASSES))
    used = []
    all_mask, all_scores, all_labels = [], [], []
    all_poses, all_boxes = [], []
    for c in range(NUM_CLASSES):
        valid = cls2[:, c] > SCORE_THRESHOLD
        validf = valid.astype(jnp.float32)
        poses_out, boxes_out, bool_mask = _class_core(bx2[:, c, :], ps2[:, c, :], cf2[:, c], validf)
        keep = jnp.logical_and(bool_mask, valid)
        used.append((valid, keep))
        all_mask.append(keep)
        all_scores.append(cls2[:, c])
        all_labels.append(jnp.full((M,), c, jnp.int32))
        all_poses.append(poses_out)
        all_boxes.append(boxes_out)
        placeholder = jnp.logical_not(jnp.any(valid))
        all_mask.append(placeholder[None])
        all_scores.append(cls2[-1, -1][None])
        all_labels.append(jnp.full((1,), -1, jnp.int32))
        all_poses.append(jnp.full((1, 12), -1.0, jnp.float32))
        all_boxes.append(jnp.full((1, 4), -1.0, jnp.float32))
    mask_c = jnp.concatenate(all_mask, axis=0)
    scores = jnp.concatenate(all_scores, axis=0)
    labels = jnp.concatenate(all_labels, axis=0)
    poses_c = jnp.concatenate(all_poses, axis=0)
    boxes_c = jnp.concatenate(all_boxes, axis=0)
    T = jnp.sum(mask_c.astype(jnp.int32))
    masked_scores = jnp.where(mask_c, scores, -jnp.inf)
    top_scores, top_idx = jax.lax.top_k(masked_scores, MAX_DETECTIONS)
    boxes_f = boxes_c[top_idx]
    poses_f = poses_c[top_idx]
    labels_f = labels[top_idx]
    slot = jnp.arange(MAX_DETECTIONS) < T
    top_scores = jnp.where(slot, top_scores, -1.0)
    boxes_f = jnp.where(slot[:, None], boxes_f, -1.0)
    poses_f = jnp.where(slot[:, None], poses_f, -1.0)
    labels_f = jnp.where(slot, labels_f, -1)
    return (boxes_f, top_scores, labels_f, poses_f), used


def reference(boxes3D, boxes, classification, poses, confidence):
    out, _ = _full_forward(boxes3D, boxes, classification, poses, confidence)
    return out

if __name__ == "__main__":
    import jax
    _d = setup_inputs()
    print(jax.jit(kernel)(*tuple(_d.values())))

</pallas_src>

<mosaic_0001>
#map = affine_map<(d0, d1) -> (0)>
#map1 = affine_map<(d0, d1) -> (0, 0)>
module attributes {stable_mosaic.version = 14 : i64} {
  func.func @_sc_select_body(%arg0: i32, %arg1: i32, %arg2: memref<8192xi32, #tpu.memory_space<hbm>>, %arg3: memref<8192x32xf32, #tpu.memory_space<hbm>>, %arg4: memref<160x32xf32, #tpu.memory_space<hbm>>, %arg5: memref<256xi32, #tpu.memory_space<vmem>>, %arg6: memref<256x32xf32, #tpu.memory_space<vmem>>, %arg7: memref<!tpu.dma_semaphore, #tpu.memory_space<semaphore_mem>>) attributes {dimension_semantics = [#tpu.dimension_semantics<core_parallel>, #tpu.dimension_semantics<subcore_parallel>], iteration_bounds = array<i64: 2, 16>, scalar_prefetch = 0 : i64, scratch_operands = 3 : i64, tpu.core_type = #tpu.core_type<sc_vector_subcore>, window_params = [{transform_indices = #map}, {transform_indices = #map1}, {transform_indices = #map1}]} {
    %mul3A = arith.constant 2 : i32
    %mul3A_0 = arith.muli %arg1, %mul3A : i32
    %add3A = arith.addi %mul3A_0, %arg0 : i32
    %mul3A_1 = arith.constant 256 : i32
    %mul3A_2 = arith.muli %add3A, %mul3A_1 : i32
    "tpu.region"() ({
      %run_scoped3A = tpu.sem_alloc : memref<!tpu.dma_semaphore, #tpu.memory_space<semaphore_mem>>
      %dma_start3A_319 = tpu.memref_slice %arg2[%mul3A_2] : memref<8192xi32, #tpu.memory_space<hbm>> -> memref<256xi32, #tpu.memory_space<hbm>>
      %dma_start3A_320 = tpu.memref_slice %arg2[%mul3A_2] : memref<8192xi32, #tpu.memory_space<hbm>> -> memref<256xi32, #tpu.memory_space<hbm>>
      tpu.enqueue_dma source(%dma_start3A_320 : memref<256xi32, #tpu.memory_space<hbm>>) target(%arg5 : memref<256xi32, #tpu.memory_space<vmem>>) target_semaphore(%run_scoped3A : memref<!tpu.dma_semaphore, #tpu.memory_space<semaphore_mem>>)
      %dma_wait3A_321 = tpu.memref_slice %arg2[%mul3A_2] : memref<8192xi32, #tpu.memory_space<hbm>> -> memref<256xi32, #tpu.memory_space<hbm>>
      %dma_wait3A_322 = tpu.memref_slice %arg2[%mul3A_2] : memref<8192xi32, #tpu.memory_space<hbm>> -> memref<256xi32, #tpu.memory_space<hbm>>
      tpu.wait_dma2 semaphore(%run_scoped3A : memref<!tpu.dma_semaphore, #tpu.memory_space<semaphore_mem>>) src(%dma_wait3A_322 : memref<256xi32, #tpu.memory_space<hbm>>) dst(%arg5 : memref<256xi32, #tpu.memory_space<vmem>>)
      tpu.yield
    }) : () -> ()
    "tpu.region"() ({
      %run_scoped3A = tpu.sem_alloc : memref<!tpu.dma_semaphore, #tpu.memory_space<semaphore_mem>>
      %dma_start3A_319 = arith.constant 0 : i32
      %dma_start3A_320 = tpu.memref_slice %arg3[%mul3A_2, %dma_start3A_319] : memref<8192x32xf32, #tpu.memory_space<hbm>> -> memref<256x32xf32, #tpu.memory_space<hbm>>
      %dma_start3A_321 = arith.constant 0 : i32
      %dma_start3A_322 = tpu.memref_slice %arg3[%mul3A_2, %dma_start3A_321] : memref<8192x32xf32, #tpu.memory_space<hbm>> -> memref<256x32xf32, #tpu.memory_space<hbm>>
      tpu.enqueue_dma source(%dma_start3A_322 : memref<256x32xf32, #tpu.memory_space<hbm>>) target(%arg6 : memref<256x32xf32, #tpu.memory_space<vmem>>) target_semaphore(%run_scoped3A : memref<!tpu.dma_semaphore, #tpu.memory_space<semaphore_mem>>)
      %dma_wait3A_323 = arith.constant 0 : i32
      %dma_wait3A_324 = tpu.memref_slice %arg3[%mul3A_2, %dma_wait3A_323] : memref<8192x32xf32, #tpu.memory_space<hbm>> -> memref<256x32xf32, #tpu.memory_space<hbm>>
      %dma_wait3A_325 = arith.constant 0 : i32
      %dma_wait3A_326 = tpu.memref_slice %arg3[%mul3A_2, %dma_wait3A_325] : memref<8192x32xf32, #tpu.memory_space<hbm>> -> memref<256x32xf32, #tpu.memory_space<hbm>>
      tpu.wait_dma2 semaphore(%run_scoped3A : memref<!tpu.dma_semaphore, #tpu.memory_space<semaphore_mem>>) src(%dma_wait3A_326 : memref<256x32xf32, #tpu.memory_space<hbm>>) dst(%arg6 : memref<256x32xf32, #tpu.memory_space<vmem>>)
      tpu.yield
    }) : () -> ()
    %add3A_3 = arith.constant 128 : i32
    %add3A_4 = arith.addi %add3A_3, %add3A : i32
    %get3A = arith.constant 0 : index
    %get3A_5 = tpu.vector_load %arg5[%get3A] {strides = array<i32>} : memref<256xi32, #tpu.memory_space<vmem>>, vector<16xi32>,
    %get3A_6 = vector.shape_cast %get3A_5 : vector<16xi32> to vector<16xi32>
    %lt3A = arith.constant 128 : i32
    %lt3A_7 = vector.broadcast %lt3A : i32 to vector<16xi32>
    %lt3A_8 = arith.cmpi slt, %get3A_6, %lt3A_7 : vector<16xi32>
    %broadcast_in_dim3A = vector.broadcast %add3A_4 : i32 to vector<16xi32>
    %select_n3A = arith.select %lt3A_8, %get3A_6, %broadcast_in_dim3A : vector<16xi1>, vector<16xi32>
    %dma_start3A = arith.constant 0 : i32
    %dma_start3A_9 = arith.constant 0 : i32
    %dma_start3A_10 = tpu.memref_slice %arg6[%dma_start3A, %dma_start3A_9] : memref<256x32xf32, #tpu.memory_space<vmem>> -> memref<16x32xf32, #tpu.memory_space<vmem>>
    %dma_start3A_11 = arith.constant 0 : i32
    %dma_start3A_12 = arith.constant 0 : i32
    %dma_start3A_13 = tpu.memref_slice %arg4[%dma_start3A_11, %dma_start3A_12] : memref<160x32xf32, #tpu.memory_space<hbm>> -> memref<160x32xf32, #tpu.memory_space<hbm>>
    tpu.enqueue_indirect_dma source(%dma_start3A_10 : memref<16x32xf32, #tpu.memory_space<vmem>>) target(%dma_start3A_13 : memref<160x32xf32, #tpu.memory_space<hbm>>) offsets(%select_n3A : vector<16xi32>) semaphore(%arg7 : memref<!tpu.dma_semaphore, #tpu.memory_space<semaphore_mem>>)
    %get3A_14 = arith.constant 16 : index
    %get3A_15 = tpu.vector_load %arg5[%get3A_14] {strides = array<i32>} : memref<256xi32, #tpu.memory_space<vmem>>, vector<16xi32>,
    %get3A_16 = vector.shape_cast %get3A_15 : vector<16xi32> to vector<16xi32>
    %lt3A_17 = arith.constant 128 : i32
    %lt3A_18 = vector.broadcast %lt3A_17 : i32 to vector<16xi32>
    %lt3A_19 = arith.cmpi slt, %get3A_16, %lt3A_18 : vector<16xi32>
    %broadcast_in_dim3A_20 = vector.broadcast %add3A_4 : i32 to vector<16xi32>
    %select_n3A_21 = arith.select %lt3A_19, %get3A_16, %broadcast_in_dim3A_20 : vector<16xi1>, vector<16xi32>
    %dma_start3A_22 = arith.constant 16 : i32
    %dma_start3A_23 = arith.constant 0 : i32
    %dma_start3A_24 = tpu.memref_slice %arg6[%dma_start3A_22, %dma_start3A_23] : memref<256x32xf32, #tpu.memory_space<vmem>> -> memref<16x32xf32, #tpu.memory_space<vmem>>
    %dma_start3A_25 = arith.constant 0 : i32
    %dma_start3A_26 = arith.constant 0 : i32
    %dma_start3A_27 = tpu.memref_slice %arg4[%dma_start3A_25, %dma_start3A_26] : memref<160x32xf32, #tpu.memory_space<hbm>> -> memref<160x32xf32, #tpu.memory_space<hbm>>
    tpu.enqueue_indirect_dma source(%dma_start3A_24 : memref<16x32xf32, #tpu.memory_space<vmem>>) target(%dma_start3A_27 : memref<160x32xf32, #tpu.memory_space<hbm>>) offsets(%select_n3A_21 : vector<16xi32>) semaphore(%arg7 : memref<!tpu.dma_semaphore, #tpu.memory_space<semaphore_mem>>)
    %get3A_28 = arith.constant 32 : index
    %get3A_29 = tpu.vector_load %arg5[%get3A_28] {strides = array<i32>} : memref<256xi32, #tpu.memory_space<vmem>>, vector<16xi32>,
    %get3A_30 = vector.shape_cast %get3A_29 : vector<16xi32> to vector<16xi32>
    %lt3A_31 = arith.constant 128 : i32
    %lt3A_32 = vector.broadcast %lt3A_31 : i32 to vector<16xi32>
    %lt3A_33 = arith.cmpi slt, %get3A_30, %lt3A_32 : vector<16xi32>
    %broadcast_in_dim3A_34 = vector.broadcast %add3A_4 : i32 to vector<16xi32>
    %select_n3A_35 = arith.select %lt3A_33, %get3A_30, %broadcast_in_dim3A_34 : vector<16xi1>, vector<16xi32>
    %dma_start3A_36 = arith.constant 32 : i32
    %dma_start3A_37 = arith.constant 0 : i32
    %dma_start3A_38 = tpu.memref_slice %arg6[%dma_start3A_36, %dma_start3A_37] : memref<256x32xf32, #tpu.memory_space<vmem>> -> memref<16x32xf32, #tpu.memory_space<vmem>>
    %dma_start3A_39 = arith.constant 0 : i32
    %dma_start3A_40 = arith.constant 0 : i32
    %dma_start3A_41 = tpu.memref_slice %arg4[%dma_start3A_39, %dma_start3A_40] : memref<160x32xf32, #tpu.memory_space<hbm>> -> memref<160x32xf32, #tpu.memory_space<hbm>>
    tpu.enqueue_indirect_dma source(%dma_start3A_38 : memref<16x32xf32, #tpu.memory_space<vmem>>) target(%dma_start3A_41 : memref<160x32xf32, #tpu.memory_space<hbm>>) offsets(%select_n3A_35 : vector<16xi32>) semaphore(%arg7 : memref<!tpu.dma_semaphore, #tpu.memory_space<semaphore_mem>>)
    %get3A_42 = arith.constant 48 : index
    %get3A_43 = tpu.vector_load %arg5[%get3A_42] {strides = array<i32>} : memref<256xi32, #tpu.memory_space<vmem>>, vector<16xi32>,
    %get3A_44 = vector.shape_cast %get3A_43 : vector<16xi32> to vector<16xi32>
    %lt3A_45 = arith.constant 128 : i32
    %lt3A_46 = vector.broadcast %lt3A_45 : i32 to vector<16xi32>
    %lt3A_47 = arith.cmpi slt, %get3A_44, %lt3A_46 : vector<16xi32>
    %broadcast_in_dim3A_48 = vector.broadcast %add3A_4 : i32 to vector<16xi32>
    %select_n3A_49 = arith.select %lt3A_47, %get3A_44, %broadcast_in_dim3A_48 : vector<16xi1>, vector<16xi32>
    %dma_start3A_50 = arith.constant 48 : i32
    %dma_start3A_51 = arith.constant 0 : i32
    %dma_start3A_52 = tpu.memref_slice %arg6[%dma_start3A_50, %dma_start3A_51] : memref<256x32xf32, #tpu.memory_space<vmem>> -> memref<16x32xf32, #tpu.memory_space<vmem>>
    %dma_start3A_53 = arith.constant 0 : i32
    %dma_start3A_54 = arith.constant 0 : i32
    %dma_start3A_55 = tpu.memref_slice %arg4[%dma_start3A_53, %dma_start3A_54] : memref<160x32xf32, #tpu.memory_space<hbm>> -> memref<160x32xf32, #tpu.memory_space<hbm>>
    tpu.enqueue_indirect_dma source(%dma_start3A_52 : memref<16x32xf32, #tpu.memory_space<vmem>>) target(%dma_start3A_55 : memref<160x32xf32, #tpu.memory_space<hbm>>) offsets(%select_n3A_49 : vector<16xi32>) semaphore(%arg7 : memref<!tpu.dma_semaphore, #tpu.memory_space<semaphore_mem>>)
    %get3A_56 = arith.constant 64 : index
    %get3A_57 = tpu.vector_load %arg5[%get3A_56] {strides = array<i32>} : memref<256xi32, #tpu.memory_space<vmem>>, vector<16xi32>,
    %get3A_58 = vector.shape_cast %get3A_57 : vector<16xi32> to vector<16xi32>
    %lt3A_59 = arith.constant 128 : i32
    %lt3A_60 = vector.broadcast %lt3A_59 : i32 to vector<16xi32>
    %lt3A_61 = arith.cmpi slt, %get3A_58, %lt3A_60 : vector<16xi32>
    %broadcast_in_dim3A_62 = vector.broadcast %add3A_4 : i32 to vector<16xi32>
    %select_n3A_63 = arith.select %lt3A_61, %get3A_58, %broadcast_in_dim3A_62 : vector<16xi1>, vector<16xi32>
    %dma_start3A_64 = arith.constant 64 : i32
    %dma_start3A_65 = arith.constant 0 : i32
    %dma_start3A_66 = tpu.memref_slice %arg6[%dma_start3A_64, %dma_start3A_65] : memref<256x32xf32, #tpu.memory_space<vmem>> -> memref<16x32xf32, #tpu.memory_space<vmem>>
    %dma_start3A_67 = arith.constant 0 : i32
    %dma_start3A_68 = arith.constant 0 : i32
    %dma_start3A_69 = tpu.memref_slice %arg4[%dma_start3A_67, %dma_start3A_68] : memref<160x32xf32, #tpu.memory_space<hbm>> -> memref<160x32xf32, #tpu.memory_space<hbm>>
    tpu.enqueue_indirect_dma source(%dma_start3A_66 : memref<16x32xf32, #tpu.memory_space<vmem>>) target(%dma_start3A_69 : memref<160x32xf32, #tpu.memory_space<hbm>>) offsets(%select_n3A_63 : vector<16xi32>) semaphore(%arg7 : memref<!tpu.dma_semaphore, #tpu.memory_space<semaphore_mem>>)
    %get3A_70 = arith.constant 80 : index
    %get3A_71 = tpu.vector_load %arg5[%get3A_70] {strides = array<i32>} : memref<256xi32, #tpu.memory_space<vmem>>, vector<16xi32>,
    %get3A_72 = vector.shape_cast %get3A_71 : vector<16xi32> to vector<16xi32>
    %lt3A_73 = arith.constant 128 : i32
    %lt3A_74 = vector.broadcast %lt3A_73 : i32 to vector<16xi32>
    %lt3A_75 = arith.cmpi slt, %get3A_72, %lt3A_74 : vector<16xi32>
    %broadcast_in_dim3A_76 = vector.broadcast %add3A_4 : i32 to vector<16xi32>
    %select_n3A_77 = arith.select %lt3A_75, %get3A_72, %broadcast_in_dim3A_76 : vector<16xi1>, vector<16xi32>
    %dma_start3A_78 = arith.constant 80 : i32
    %dma_start3A_79 = arith.constant 0 : i32
    %dma_start3A_80 = tpu.memref_slice %arg6[%dma_start3A_78, %dma_start3A_79] : memref<256x32xf32, #tpu.memory_space<vmem>> -> memref<16x32xf32, #tpu.memory_space<vmem>>
    %dma_start3A_81 = arith.constant 0 : i32
    %dma_start3A_82 = arith.constant 0 : i32
    %dma_start3A_83 = tpu.memref_slice %arg4[%dma_start3A_81, %dma_start3A_82] : memref<160x32xf32, #tpu.memory_space<hbm>> -> memref<160x32xf32, #tpu.memory_space<hbm>>
    tpu.enqueue_indirect_dma source(%dma_start3A_80 : memref<16x32xf32, #tpu.memory_space<vmem>>) target(%dma_start3A_83 : memref<160x32xf32, #tpu.memory_space<hbm>>) offsets(%select_n3A_77 : vector<16xi32>) semaphore(%arg7 : memref<!tpu.dma_semaphore, #tpu.memory_space<semaphore_mem>>)
    %get3A_84 = arith.constant 96 : index
    %get3A_85 = tpu.vector_load %arg5[%get3A_84] {strides = array<i32>} : memref<256xi32, #tpu.memory_space<vmem>>, vector<16xi32>,
    %get3A_86 = vector.shape_cast %get3A_85 : vector<16xi32> to vector<16xi32>
    %lt3A_87 = arith.constant 128 : i32
    %lt3A_88 = vector.broadcast %lt3A_87 : i32 to vector<16xi32>
    %lt3A_89 = arith.cmpi slt, %get3A_86, %lt3A_88 : vector<16xi32>
    %broadcast_in_dim3A_90 = vector.broadcast %add3A_4 : i32 to vector<16xi32>
    %select_n3A_91 = arith.select %lt3A_89, %get3A_86, %broadcast_in_dim3A_90 : vector<16xi1>, vector<16xi32>
    %dma_start3A_92 = arith.constant 96 : i32
    %dma_start3A_93 = arith.constant 0 : i32
    %dma_start3A_94 = tpu.memref_slice %arg6[%dma_start3A_92, %dma_start3A_93] : memref<256x32xf32, #tpu.memory_space<vmem>> -> memref<16x32xf32, #tpu.memory_space<vmem>>
    %dma_start3A_95 = arith.constant 0 : i32
    %dma_start3A_96 = arith.constant 0 : i32
    %dma_start3A_97 = tpu.memref_slice %arg4[%dma_start3A_95, %dma_start3A_96] : memref<160x32xf32, #tpu.memory_space<hbm>> -> memref<160x32xf32, #tpu.memory_space<hbm>>
    tpu.enqueue_indirect_dma source(%dma_start3A_94 : memref<16x32xf32, #tpu.memory_space<vmem>>) target(%dma_start3A_97 : memref<160x32xf32, #tpu.memory_space<hbm>>) offsets(%select_n3A_91 : vector<16xi32>) semaphore(%arg7 : memref<!tpu.dma_semaphore, #tpu.memory_space<semaphore_mem>>)
    %get3A_98 = arith.constant 112 : index
    %get3A_99 = tpu.vector_load %arg5[%get3A_98] {strides = array<i32>} : memref<256xi32, #tpu.memory_space<vmem>>, vector<16xi32>,
    %get3A_100 = vector.shape_cast %get3A_99 : vector<16xi32> to vector<16xi32>
    %lt3A_101 = arith.constant 128 : i32
    %lt3A_102 = vector.broadcast %lt3A_101 : i32 to vector<16xi32>
    %lt3A_103 = arith.cmpi slt, %get3A_100, %lt3A_102 : vector<16xi32>
    %broadcast_in_dim3A_104 = vector.broadcast %add3A_4 : i32 to vector<16xi32>
    %select_n3A_105 = arith.select %lt3A_103, %get3A_100, %broadcast_in_dim3A_104 : vector<16xi1>, vector<16xi32>
    %dma_start3A_106 = arith.constant 112 : i32
    %dma_start3A_107 = arith.constant 0 : i32
    %dma_start3A_108 = tpu.memref_slice %arg6[%dma_start3A_106, %dma_start3A_107] : memref<256x32xf32, #tpu.memory_space<vmem>> -> memref<16x32xf32, #tpu.memory_space<vmem>>
    %dma_start3A_109 = arith.constant 0 : i32
    %dma_start3A_110 = arith.constant 0 : i32
    %dma_start3A_111 = tpu.memref_slice %arg4[%dma_start3A_109, %dma_start3A_110] : memref<160x32xf32, #tpu.memory_space<hbm>> -> memref<160x32xf32, #tpu.memory_space<hbm>>
    tpu.enqueue_indirect_dma source(%dma_start3A_108 : memref<16x32xf32, #tpu.memory_space<vmem>>) target(%dma_start3A_111 : memref<160x32xf32, #tpu.memory_space<hbm>>) offsets(%select_n3A_105 : vector<16xi32>) semaphore(%arg7 : memref<!tpu.dma_semaphore, #tpu.memory_space<semaphore_mem>>)
    %get3A_112 = arith.constant 128 : index
    %get3A_113 = tpu.vector_load %arg5[%get3A_112] {strides = array<i32>} : memref<256xi32, #tpu.memory_space<vmem>>, vector<16xi32>,
    %get3A_114 = vector.shape_cast %get3A_113 : vector<16xi32> to vector<16xi32>
    %lt3A_115 = arith.constant 128 : i32
    %lt3A_116 = vector.broadcast %lt3A_115 : i32 to vector<16xi32>
    %lt3A_117 = arith.cmpi slt, %get3A_114, %lt3A_116 : vector<16xi32>
    %broadcast_in_dim3A_118 = vector.broadcast %add3A_4 : i32 to vector<16xi32>
    %select_n3A_119 = arith.select %lt3A_117, %get3A_114, %broadcast_in_dim3A_118 : vector<16xi1>, vector<16xi32>
    %dma_start3A_120 = arith.constant 128 : i32
    %dma_start3A_121 = arith.constant 0 : i32
    %dma_start3A_122 = tpu.memref_slice %arg6[%dma_start3A_120, %dma_start3A_121] : memref<256x32xf32, #tpu.memory_space<vmem>> -> memref<16x32xf32, #tpu.memory_space<vmem>>
    %dma_start3A_123 = arith.constant 0 : i32
    %dma_start3A_124 = arith.constant 0 : i32
    %dma_start3A_125 = tpu.memref_slice %arg4[%dma_start3A_123, %dma_start3A_124] : memref<160x32xf32, #tpu.memory_space<hbm>> -> memref<160x32xf32, #tpu.memory_space<hbm>>
    tpu.enqueue_indirect_dma source(%dma_start3A_122 : memref<16x32xf32, #tpu.memory_space<vmem>>) target(%dma_start3A_125 : memref<160x32xf32, #tpu.memory_space<hbm>>) offsets(%select_n3A_119 : vector<16xi32>) semaphore(%arg7 : memref<!tpu.dma_semaphore, #tpu.memory_space<semaphore_mem>>)
    %get3A_126 = arith.constant 144 : index
    %get3A_127 = tpu.vector_load %arg5[%get3A_126] {strides = array<i32>} : memref<256xi32, #tpu.memory_space<vmem>>, vector<16xi32>,
    %get3A_128 = vector.shape_cast %get3A_127 : vector<16xi32> to vector<16xi32>
    %lt3A_129 = arith.constant 128 : i32
    %lt3A_130 = vector.broadcast %lt3A_129 : i32 to vector<16xi32>
    %lt3A_131 = arith.cmpi slt, %get3A_128, %lt3A_130 : vector<16xi32>
    %broadcast_in_dim3A_132 = vector.broadcast %add3A_4 : i32 to vector<16xi32>
    %select_n3A_133 = arith.select %lt3A_131, %get3A_128, %broadcast_in_dim3A_132 : vector<16xi1>, vector<16xi32>
    %dma_start3A_134 = arith.constant 144 : i32
    %dma_start3A_135 = arith.constant 0 : i32
    %dma_start3A_136 = tpu.memref_slice %arg6[%dma_start3A_134, %dma_start3A_135] : memref<256x32xf32, #tpu.memory_space<vmem>> -> memref<16x32xf32, #tpu.memory_space<vmem>>
    %dma_start3A_137 = arith.constant 0 : i32
    %dma_start3A_138 = arith.constant 0 : i32
    %dma_start3A_139 = tpu.memref_slice %arg4[%dma_start3A_137, %dma_start3A_138] : memref<160x32xf32, #tpu.memory_space<hbm>> -> memref<160x32xf32, #tpu.memory_space<hbm>>
    tpu.enqueue_indirect_dma source(%dma_start3A_136 : memref<16x32xf32, #tpu.memory_space<vmem>>) target(%dma_start3A_139 : memref<160x32xf32, #tpu.memory_space<hbm>>) offsets(%select_n3A_133 : vector<16xi32>) semaphore(%arg7 : memref<!tpu.dma_semaphore, #tpu.memory_space<semaphore_mem>>)
    %get3A_140 = arith.constant 160 : index
    %get3A_141 = tpu.vector_load %arg5[%get3A_140] {strides = array<i32>} : memref<256xi32, #tpu.memory_space<vmem>>, vector<16xi32>,
    %get3A_142 = vector.shape_cast %get3A_141 : vector<16xi32> to vector<16xi32>
    %lt3A_143 = arith.constant 128 : i32
    %lt3A_144 = vector.broadcast %lt3A_143 : i32 to vector<16xi32>
    %lt3A_145 = arith.cmpi slt, %get3A_142, %lt3A_144 : vector<16xi32>
    %broadcast_in_dim3A_146 = vector.broadcast %add3A_4 : i32 to vector<16xi32>
    %select_n3A_147 = arith.select %lt3A_145, %get3A_142, %broadcast_in_dim3A_146 : vector<16xi1>, vector<16xi32>
    %dma_start3A_148 = arith.constant 160 : i32
    %dma_start3A_149 = arith.constant 0 : i32
    %dma_start3A_150 = tpu.memref_slice %arg6[%dma_start3A_148, %dma_start3A_149] : memref<256x32xf32, #tpu.memory_space<vmem>> -> memref<16x32xf32, #tpu.memory_space<vmem>>
    %dma_start3A_151 = arith.constant 0 : i32
    %dma_start3A_152 = arith.constant 0 : i32
    %dma_start3A_153 = tpu.memref_slice %arg4[%dma_start3A_151, %dma_start3A_152] : memref<160x32xf32, #tpu.memory_space<hbm>> -> memref<160x32xf32, #tpu.memory_space<hbm>>
    tpu.enqueue_indirect_dma source(%dma_start3A_150 : memref<16x32xf32, #tpu.memory_space<vmem>>) target(%dma_start3A_153 : memref<160x32xf32, #tpu.memory_space<hbm>>) offsets(%select_n3A_147 : vector<16xi32>) semaphore(%arg7 : memref<!tpu.dma_semaphore, #tpu.memory_space<semaphore_mem>>)
    %get3A_154 = arith.constant 176 : index
    %get3A_155 = tpu.vector_load %arg5[%get3A_154] {strides = array<i32>} : memref<256xi32, #tpu.memory_space<vmem>>, vector<16xi32>,
    %get3A_156 = vector.shape_cast %get3A_155 : vector<16xi32> to vector<16xi32>
    %lt3A_157 = arith.constant 128 : i32
    %lt3A_158 = vector.broadcast %lt3A_157 : i32 to vector<16xi32>
    %lt3A_159 = arith.cmpi slt, %get3A_156, %lt3A_158 : vector<16xi32>
    %broadcast_in_dim3A_160 = vector.broadcast %add3A_4 : i32 to vector<16xi32>
    %select_n3A_161 = arith.select %lt3A_159, %get3A_156, %broadcast_in_dim3A_160 : vector<16xi1>, vector<16xi32>
    %dma_start3A_162 = arith.constant 176 : i32
    %dma_start3A_163 = arith.constant 0 : i32
    %dma_start3A_164 = tpu.memref_slice %arg6[%dma_start3A_162, %dma_start3A_163] : memref<256x32xf32, #tpu.memory_space<vmem>> -> memref<16x32xf32, #tpu.memory_space<vmem>>
    %dma_start3A_165 = arith.constant 0 : i32
    %dma_start3A_166 = arith.constant 0 : i32
    %dma_start3A_167 = tpu.memref_slice %arg4[%dma_start3A_165, %dma_start3A_166] : memref<160x32xf32, #tpu.memory_space<hbm>> -> memref<160x32xf32, #tpu.memory_space<hbm>>
    tpu.enqueue_indirect_dma source(%dma_start3A_164 : memref<16x32xf32, #tpu.memory_space<vmem>>) target(%dma_start3A_167 : memref<160x32xf32, #tpu.memory_space<hbm>>) offsets(%select_n3A_161 : vector<16xi32>) semaphore(%arg7 : memref<!tpu.dma_semaphore, #tpu.memory_space<semaphore_mem>>)
    %get3A_168 = arith.constant 192 : index
    %get3A_169 = tpu.vector_load %arg5[%get3A_168] {strides = array<i32>} : memref<256xi32, #tpu.memory_space<vmem>>, vector<16xi32>,
    %get3A_170 = vector.shape_cast %get3A_169 : vector<16xi32> to vector<16xi32>
    %lt3A_171 = arith.constant 128 : i32
    %lt3A_172 = vector.broadcast %lt3A_171 : i32 to vector<16xi32>
    %lt3A_173 = arith.cmpi slt, %get3A_170, %lt3A_172 : vector<16xi32>
    %broadcast_in_dim3A_174 = vector.broadcast %add3A_4 : i32 to vector<16xi32>
    %select_n3A_175 = arith.select %lt3A_173, %get3A_170, %broadcast_in_dim3A_174 : vector<16xi1>, vector<16xi32>
    %dma_start3A_176 = arith.constant 192 : i32
    %dma_start3A_177 = arith.constant 0 : i32
    %dma_start3A_178 = tpu.memref_slice %arg6[%dma_start3A_176, %dma_start3A_177] : memref<256x32xf32, #tpu.memory_space<vmem>> -> memref<16x32xf32, #tpu.memory_space<vmem>>
    %dma_start3A_179 = arith.constant 0 : i32
    %dma_start3A_180 = arith.constant 0 : i32
    %dma_start3A_181 = tpu.memref_slice %arg4[%dma_start3A_179, %dma_start3A_180] : memref<160x32xf32, #tpu.memory_space<hbm>> -> memref<160x32xf32, #tpu.memory_space<hbm>>
    tpu.enqueue_indirect_dma source(%dma_start3A_178 : memref<16x32xf32, #tpu.memory_space<vmem>>) target(%dma_start3A_181 : memref<160x32xf32, #tpu.memory_space<hbm>>) offsets(%select_n3A_175 : vector<16xi32>) semaphore(%arg7 : memref<!tpu.dma_semaphore, #tpu.memory_space<semaphore_mem>>)
    %get3A_182 = arith.constant 208 : index
    %get3A_183 = tpu.vector_load %arg5[%get3A_182] {strides = array<i32>} : memref<256xi32, #tpu.memory_space<vmem>>, vector<16xi32>,
    %get3A_184 = vector.shape_cast %get3A_183 : vector<16xi32> to vector<16xi32>
    %lt3A_185 = arith.constant 128 : i32
    %lt3A_186 = vector.broadcast %lt3A_185 : i32 to vector<16xi32>
    %lt3A_187 = arith.cmpi slt, %get3A_184, %lt3A_186 : vector<16xi32>
    %broadcast_in_dim3A_188 = vector.broadcast %add3A_4 : i32 to vector<16xi32>
    %select_n3A_189 = arith.select %lt3A_187, %get3A_184, %broadcast_in_dim3A_188 : vector<16xi1>, vector<16xi32>
    %dma_start3A_190 = arith.constant 208 : i32
    %dma_start3A_191 = arith.constant 0 : i32
    %dma_start3A_192 = tpu.memref_slice %arg6[%dma_start3A_190, %dma_start3A_191] : memref<256x32xf32, #tpu.memory_space<vmem>> -> memref<16x32xf32, #tpu.memory_space<vmem>>
    %dma_start3A_193 = arith.constant 0 : i32
    %dma_start3A_194 = arith.constant 0 : i32
    %dma_start3A_195 = tpu.memref_slice %arg4[%dma_start3A_193, %dma_start3A_194] : memref<160x32xf32, #tpu.memory_space<hbm>> -> memref<160x32xf32, #tpu.memory_space<hbm>>
    tpu.enqueue_indirect_dma source(%dma_start3A_192 : memref<16x32xf32, #tpu.memory_space<vmem>>) target(%dma_start3A_195 : memref<160x32xf32, #tpu.memory_space<hbm>>) offsets(%select_n3A_189 : vector<16xi32>) semaphore(%arg7 : memref<!tpu.dma_semaphore, #tpu.memory_space<semaphore_mem>>)
    %get3A_196 = arith.constant 224 : index
    %get3A_197 = tpu.vector_load %arg5[%get3A_196] {strides = array<i32>} : memref<256xi32, #tpu.memory_space<vmem>>, vector<16xi32>,
    %get3A_198 = vector.shape_cast %get3A_197 : vector<16xi32> to vector<16xi32>
    %lt3A_199 = arith.constant 128 : i32
    %lt3A_200 = vector.broadcast %lt3A_199 : i32 to vector<16xi32>
    %lt3A_201 = arith.cmpi slt, %get3A_198, %lt3A_200 : vector<16xi32>
    %broadcast_in_dim3A_202 = vector.broadcast %add3A_4 : i32 to vector<16xi32>
    %select_n3A_203 = arith.select %lt3A_201, %get3A_198, %broadcast_in_dim3A_202 : vector<16xi1>, vector<16xi32>
    %dma_start3A_204 = arith.constant 224 : i32
    %dma_start3A_205 = arith.constant 0 : i32
    %dma_start3A_206 = tpu.memref_slice %arg6[%dma_start3A_204, %dma_start3A_205] : memref<256x32xf32, #tpu.memory_space<vmem>> -> memref<16x32xf32, #tpu.memory_space<vmem>>
    %dma_start3A_207 = arith.constant 0 : i32
    %dma_start3A_208 = arith.constant 0 : i32
    %dma_start3A_209 = tpu.memref_slice %arg4[%dma_start3A_207, %dma_start3A_208] : memref<160x32xf32, #tpu.memory_space<hbm>> -> memref<160x32xf32, #tpu.memory_space<hbm>>
    tpu.enqueue_indirect_dma source(%dma_start3A_206 : memref<16x32xf32, #tpu.memory_space<vmem>>) target(%dma_start3A_209 : memref<160x32xf32, #tpu.memory_space<hbm>>) offsets(%select_n3A_203 : vector<16xi32>) semaphore(%arg7 : memref<!tpu.dma_semaphore, #tpu.memory_space<semaphore_mem>>)
    %get3A_210 = arith.constant 240 : index
    %get3A_211 = tpu.vector_load %arg5[%get3A_210] {strides = array<i32>} : memref<256xi32, #tpu.memory_space<vmem>>, vector<16xi32>,
    %get3A_212 = vector.shape_cast %get3A_211 : vector<16xi32> to vector<16xi32>
    %lt3A_213 = arith.constant 128 : i32
    %lt3A_214 = vector.broadcast %lt3A_213 : i32 to vector<16xi32>
    %lt3A_215 = arith.cmpi slt, %get3A_212, %lt3A_214 : vector<16xi32>
    %broadcast_in_dim3A_216 = vector.broadcast %add3A_4 : i32 to vector<16xi32>
    %select_n3A_217 = arith.select %lt3A_215, %get3A_212, %broadcast_in_dim3A_216 : vector<16xi1>, vector<16xi32>
    %dma_start3A_218 = arith.constant 240 : i32
    %dma_start3A_219 = arith.constant 0 : i32
    %dma_start3A_220 = tpu.memref_slice %arg6[%dma_start3A_218, %dma_start3A_219] : memref<256x32xf32, #tpu.memory_space<vmem>> -> memref<16x32xf32, #tpu.memory_space<vmem>>
    %dma_start3A_221 = arith.constant 0 : i32
    %dma_start3A_222 = arith.constant 0 : i32
    %dma_start3A_223 = tpu.memref_slice %arg4[%dma_start3A_221, %dma_start3A_222] : memref<160x32xf32, #tpu.memory_space<hbm>> -> memref<160x32xf32, #tpu.memory_space<hbm>>
    tpu.enqueue_indirect_dma source(%dma_start3A_220 : memref<16x32xf32, #tpu.memory_space<vmem>>) target(%dma_start3A_223 : memref<160x32xf32, #tpu.memory_space<hbm>>) offsets(%select_n3A_217 : vector<16xi32>) semaphore(%arg7 : memref<!tpu.dma_semaphore, #tpu.memory_space<semaphore_mem>>)
    %dma_wait3A = arith.constant 0 : i32
    %dma_wait3A_224 = arith.constant 0 : i32
    %dma_wait3A_225 = tpu.memref_slice %arg6[%dma_wait3A, %dma_wait3A_224] : memref<256x32xf32, #tpu.memory_space<vmem>> -> memref<16x32xf32, #tpu.memory_space<vmem>>
    %dma_wait3A_226 = arith.constant 0 : i32
    %dma_wait3A_227 = arith.constant 0 : i32
    %dma_wait3A_228 = tpu.memref_slice %arg4[%dma_wait3A_226, %dma_wait3A_227] : memref<160x32xf32, #tpu.memory_space<hbm>> -> memref<160x32xf32, #tpu.memory_space<hbm>>
    tpu.wait_indirect_dma semaphore(%arg7 : memref<!tpu.dma_semaphore, #tpu.memory_space<semaphore_mem>>) src(%dma_wait3A_225 : memref<16x32xf32, #tpu.memory_space<vmem>>) dst(%dma_wait3A_228 : memref<160x32xf32, #tpu.memory_space<hbm>>)
    %dma_wait3A_229 = arith.constant 16 : i32
    %dma_wait3A_230 = arith.constant 0 : i32
    %dma_wait3A_231 = tpu.memref_slice %arg6[%dma_wait3A_229, %dma_wait3A_230] : memref<256x32xf32, #tpu.memory_space<vmem>> -> memref<16x32xf32, #tpu.memory_space<vmem>>
    %dma_wait3A_232 = arith.constant 0 : i32
    %dma_wait3A_233 = arith.constant 0 : i32
    %dma_wait3A_234 = tpu.memref_slice %arg4[%dma_wait3A_232, %dma_wait3A_233] : memref<160x32xf32, #tpu.memory_space<hbm>> -> memref<160x32xf32, #tpu.memory_space<hbm>>
    tpu.wait_indirect_dma semaphore(%arg7 : memref<!tpu.dma_semaphore, #tpu.memory_space<semaphore_mem>>) src(%dma_wait3A_231 : memref<16x32xf32, #tpu.memory_space<vmem>>) dst(%dma_wait3A_234 : memref<160x32xf32, #tpu.memory_space<hbm>>)
    %dma_wait3A_235 = arith.constant 32 : i32
    %dma_wait3A_236 = arith.constant 0 : i32
    %dma_wait3A_237 = tpu.memref_slice %arg6[%dma_wait3A_235, %dma_wait3A_236] : memref<256x32xf32, #tpu.memory_space<vmem>> -> memref<16x32xf32, #tpu.memory_space<vmem>>
    %dma_wait3A_238 = arith.constant 0 : i32
    %dma_wait3A_239 = arith.constant 0 : i32
    %dma_wait3A_240 = tpu.memref_slice %arg4[%dma_wait3A_238, %dma_wait3A_239] : memref<160x32xf32, #tpu.memory_space<hbm>> -> memref<160x32xf32, #tpu.memory_space<hbm>>
    tpu.wait_indirect_dma semaphore(%arg7 : memref<!tpu.dma_semaphore, #tpu.memory_space<semaphore_mem>>) src(%dma_wait3A_237 : memref<16x32xf32, #tpu.memory_space<vmem>>) dst(%dma_wait3A_240 : memref<160x32xf32, #tpu.memory_space<hbm>>)
    %dma_wait3A_241 = arith.constant 48 : i32
    %dma_wait3A_242 = arith.constant 0 : i32
    %dma_wait3A_243 = tpu.memref_slice %arg6[%dma_wait3A_241, %dma_wait3A_242] : memref<256x32xf32, #tpu.memory_space<vmem>> -> memref<16x32xf32, #tpu.memory_space<vmem>>
    %dma_wait3A_244 = arith.constant 0 : i32
    %dma_wait3A_245 = arith.constant 0 : i32
    %dma_wait3A_246 = tpu.memref_slice %arg4[%dma_wait3A_244, %dma_wait3A_245] : memref<160x32xf32, #tpu.memory_space<hbm>> -> memref<160x32xf32, #tpu.memory_space<hbm>>
    tpu.wait_indirect_dma semaphore(%arg7 : memref<!tpu.dma_semaphore, #tpu.memory_space<semaphore_mem>>) src(%dma_wait3A_243 : memref<16x32xf32, #tpu.memory_space<vmem>>) dst(%dma_wait3A_246 : memref<160x32xf32, #tpu.memory_space<hbm>>)
    %dma_wait3A_247 = arith.constant 64 : i32
    %dma_wait3A_248 = arith.constant 0 : i32
    %dma_wait3A_249 = tpu.memref_slice %arg6[%dma_wait3A_247, %dma_wait3A_248] : memref<256x32xf32, #tpu.memory_space<vmem>> -> memref<16x32xf32, #tpu.memory_space<vmem>>
    %dma_wait3A_250 = arith.constant 0 : i32
    %dma_wait3A_251 = arith.constant 0 : i32
    %dma_wait3A_252 = tpu.memref_slice %arg4[%dma_wait3A_250, %dma_wait3A_251] : memref<160x32xf32, #tpu.memory_space<hbm>> -> memref<160x32xf32, #tpu.memory_space<hbm>>
    tpu.wait_indirect_dma semaphore(%arg7 : memref<!tpu.dma_semaphore, #tpu.memory_space<semaphore_mem>>) src(%dma_wait3A_249 : memref<16x32xf32, #tpu.memory_space<vmem>>) dst(%dma_wait3A_252 : memref<160x32xf32, #tpu.memory_space<hbm>>)
    %dma_wait3A_253 = arith.constant 80 : i32
    %dma_wait3A_254 = arith.constant 0 : i32
    %dma_wait3A_255 = tpu.memref_slice %arg6[%dma_wait3A_253, %dma_wait3A_254] : memref<256x32xf32, #tpu.memory_space<vmem>> -> memref<16x32xf32, #tpu.memory_space<vmem>>
    %dma_wait3A_256 = arith.constant 0 : i32
    %dma_wait3A_257 = arith.constant 0 : i32
    %dma_wait3A_258 = tpu.memref_slice %arg4[%dma_wait3A_256, %dma_wait3A_257] : memref<160x32xf32, #tpu.memory_space<hbm>> -> memref<160x32xf32, #tpu.memory_space<hbm>>
    tpu.wait_indirect_dma semaphore(%arg7 : memref<!tpu.dma_semaphore, #tpu.memory_space<semaphore_mem>>) src(%dma_wait3A_255 : memref<16x32xf32, #tpu.memory_space<vmem>>) dst(%dma_wait3A_258 : memref<160x32xf32, #tpu.memory_space<hbm>>)
    %dma_wait3A_259 = arith.constant 96 : i32
    %dma_wait3A_260 = arith.constant 0 : i32
    %dma_wait3A_261 = tpu.memref_slice %arg6[%dma_wait3A_259, %dma_wait3A_260] : memref<256x32xf32, #tpu.memory_space<vmem>> -> memref<16x32xf32, #tpu.memory_space<vmem>>
    %dma_wait3A_262 = arith.constant 0 : i32
    %dma_wait3A_263 = arith.constant 0 : i32
    %dma_wait3A_264 = tpu.memref_slice %arg4[%dma_wait3A_262, %dma_wait3A_263] : memref<160x32xf32, #tpu.memory_space<hbm>> -> memref<160x32xf32, #tpu.memory_space<hbm>>
    tpu.wait_indirect_dma semaphore(%arg7 : memref<!tpu.dma_semaphore, #tpu.memory_space<semaphore_mem>>) src(%dma_wait3A_261 : memref<16x32xf32, #tpu.memory_space<vmem>>) dst(%dma_wait3A_264 : memref<160x32xf32, #tpu.memory_space<hbm>>)
    %dma_wait3A_265 = arith.constant 112 : i32
    %dma_wait3A_266 = arith.constant 0 : i32
    %dma_wait3A_267 = tpu.memref_slice %arg6[%dma_wait3A_265, %dma_wait3A_266] : memref<256x32xf32, #tpu.memory_space<vmem>> -> memref<16x32xf32, #tpu.memory_space<vmem>>
    %dma_wait3A_268 = arith.constant 0 : i32
    %dma_wait3A_269 = arith.constant 0 : i32
    %dma_wait3A_270 = tpu.memref_slice %arg4[%dma_wait3A_268, %dma_wait3A_269] : memref<160x32xf32, #tpu.memory_space<hbm>> -> memref<160x32xf32, #tpu.memory_space<hbm>>
    tpu.wait_indirect_dma semaphore(%arg7 : memref<!tpu.dma_semaphore, #tpu.memory_space<semaphore_mem>>) src(%dma_wait3A_267 : memref<16x32xf32, #tpu.memory_space<vmem>>) dst(%dma_wait3A_270 : memref<160x32xf32, #tpu.memory_space<hbm>>)
    %dma_wait3A_271 = arith.constant 128 : i32
    %dma_wait3A_272 = arith.constant 0 : i32
    %dma_wait3A_273 = tpu.memref_slice %arg6[%dma_wait3A_271, %dma_wait3A_272] : memref<256x32xf32, #tpu.memory_space<vmem>> -> memref<16x32xf32, #tpu.memory_space<vmem>>
    %dma_wait3A_274 = arith.constant 0 : i32
    %dma_wait3A_275 = arith.constant 0 : i32
    %dma_wait3A_276 = tpu.memref_slice %arg4[%dma_wait3A_274, %dma_wait3A_275] : memref<160x32xf32, #tpu.memory_space<hbm>> -> memref<160x32xf32, #tpu.memory_space<hbm>>
    tpu.wait_indirect_dma semaphore(%arg7 : memref<!tpu.dma_semaphore, #tpu.memory_space<semaphore_mem>>) src(%dma_wait3A_273 : memref<16x32xf32, #tpu.memory_space<vmem>>) dst(%dma_wait3A_276 : memref<160x32xf32, #tpu.memory_space<hbm>>)
    %dma_wait3A_277 = arith.constant 144 : i32
    %dma_wait3A_278 = arith.constant 0 : i32
    %dma_wait3A_279 = tpu.memref_slice %arg6[%dma_wait3A_277, %dma_wait3A_278] : memref<256x32xf32, #tpu.memory_space<vmem>> -> memref<16x32xf32, #tpu.memory_space<vmem>>
    %dma_wait3A_280 = arith.constant 0 : i32
    %dma_wait3A_281 = arith.constant 0 : i32
    %dma_wait3A_282 = tpu.memref_slice %arg4[%dma_wait3A_280, %dma_wait3A_281] : memref<160x32xf32, #tpu.memory_space<hbm>> -> memref<160x32xf32, #tpu.memory_space<hbm>>
    tpu.wait_indirect_dma semaphore(%arg7 : memref<!tpu.dma_semaphore, #tpu.memory_space<semaphore_mem>>) src(%dma_wait3A_279 : memref<16x32xf32, #tpu.memory_space<vmem>>) dst(%dma_wait3A_282 : memref<160x32xf32, #tpu.memory_space<hbm>>)
    %dma_wait3A_283 = arith.constant 160 : i32
    %dma_wait3A_284 = arith.constant 0 : i32
    %dma_wait3A_285 = tpu.memref_slice %arg6[%dma_wait3A_283, %dma_wait3A_284] : memref<256x32xf32, #tpu.memory_space<vmem>> -> memref<16x32xf32, #tpu.memory_space<vmem>>
    %dma_wait3A_286 = arith.constant 0 : i32
    %dma_wait3A_287 = arith.constant 0 : i32
    %dma_wait3A_288 = tpu.memref_slice %arg4[%dma_wait3A_286, %dma_wait3A_287] : memref<160x32xf32, #tpu.memory_space<hbm>> -> memref<160x32xf32, #tpu.memory_space<hbm>>
    tpu.wait_indirect_dma semaphore(%arg7 : memref<!tpu.dma_semaphore, #tpu.memory_space<semaphore_mem>>) src(%dma_wait3A_285 : memref<16x32xf32, #tpu.memory_space<vmem>>) dst(%dma_wait3A_288 : memref<160x32xf32, #tpu.memory_space<hbm>>)
    %dma_wait3A_289 = arith.constant 176 : i32
    %dma_wait3A_290 = arith.constant 0 : i32
    %dma_wait3A_291 = tpu.memref_slice %arg6[%dma_wait3A_289, %dma_wait3A_290] : memref<256x32xf32, #tpu.memory_space<vmem>> -> memref<16x32xf32, #tpu.memory_space<vmem>>
    %dma_wait3A_292 = arith.constant 0 : i32
    %dma_wait3A_293 = arith.constant 0 : i32
    %dma_wait3A_294 = tpu.memref_slice %arg4[%dma_wait3A_292, %dma_wait3A_293] : memref<160x32xf32, #tpu.memory_space<hbm>> -> memref<160x32xf32, #tpu.memory_space<hbm>>
    tpu.wait_indirect_dma semaphore(%arg7 : memref<!tpu.dma_semaphore, #tpu.memory_space<semaphore_mem>>) src(%dma_wait3A_291 : memref<16x32xf32, #tpu.memory_space<vmem>>) dst(%dma_wait3A_294 : memref<160x32xf32, #tpu.memory_space<hbm>>)
    %dma_wait3A_295 = arith.constant 192 : i32
    %dma_wait3A_296 = arith.constant 0 : i32
    %dma_wait3A_297 = tpu.memref_slice %arg6[%dma_wait3A_295, %dma_wait3A_296] : memref<256x32xf32, #tpu.memory_space<vmem>> -> memref<16x32xf32, #tpu.memory_space<vmem>>
    %dma_wait3A_298 = arith.constant 0 : i32
    %dma_wait3A_299 = arith.constant 0 : i32
    %dma_wait3A_300 = tpu.memref_slice %arg4[%dma_wait3A_298, %dma_wait3A_299] : memref<160x32xf32, #tpu.memory_space<hbm>> -> memref<160x32xf32, #tpu.memory_space<hbm>>
    tpu.wait_indirect_dma semaphore(%arg7 : memref<!tpu.dma_semaphore, #tpu.memory_space<semaphore_mem>>) src(%dma_wait3A_297 : memref<16x32xf32, #tpu.memory_space<vmem>>) dst(%dma_wait3A_300 : memref<160x32xf32, #tpu.memory_space<hbm>>)
    %dma_wait3A_301 = arith.constant 208 : i32
    %dma_wait3A_302 = arith.constant 0 : i32
    %dma_wait3A_303 = tpu.memref_slice %arg6[%dma_wait3A_301, %dma_wait3A_302] : memref<256x32xf32, #tpu.memory_space<vmem>> -> memref<16x32xf32, #tpu.memory_space<vmem>>
    %dma_wait3A_304 = arith.constant 0 : i32
    %dma_wait3A_305 = arith.constant 0 : i32
    %dma_wait3A_306 = tpu.memref_slice %arg4[%dma_wait3A_304, %dma_wait3A_305] : memref<160x32xf32, #tpu.memory_space<hbm>> -> memref<160x32xf32, #tpu.memory_space<hbm>>
    tpu.wait_indirect_dma semaphore(%arg7 : memref<!tpu.dma_semaphore, #tpu.memory_space<semaphore_mem>>) src(%dma_wait3A_303 : memref<16x32xf32, #tpu.memory_space<vmem>>) dst(%dma_wait3A_306 : memref<160x32xf32, #tpu.memory_space<hbm>>)
    %dma_wait3A_307 = arith.constant 224 : i32
    %dma_wait3A_308 = arith.constant 0 : i32
    %dma_wait3A_309 = tpu.memref_slice %arg6[%dma_wait3A_307, %dma_wait3A_308] : memref<256x32xf32, #tpu.memory_space<vmem>> -> memref<16x32xf32, #tpu.memory_space<vmem>>
    %dma_wait3A_310 = arith.constant 0 : i32
    %dma_wait3A_311 = arith.constant 0 : i32
    %dma_wait3A_312 = tpu.memref_slice %arg4[%dma_wait3A_310, %dma_wait3A_311] : memref<160x32xf32, #tpu.memory_space<hbm>> -> memref<160x32xf32, #tpu.memory_space<hbm>>
    tpu.wait_indirect_dma semaphore(%arg7 : memref<!tpu.dma_semaphore, #tpu.memory_space<semaphore_mem>>) src(%dma_wait3A_309 : memref<16x32xf32, #tpu.memory_space<vmem>>) dst(%dma_wait3A_312 : memref<160x32xf32, #tpu.memory_space<hbm>>)
    %dma_wait3A_313 = arith.constant 240 : i32
    %dma_wait3A_314 = arith.constant 0 : i32
    %dma_wait3A_315 = tpu.memref_slice %arg6[%dma_wait3A_313, %dma_wait3A_314] : memref<256x32xf32, #tpu.memory_space<vmem>> -> memref<16x32xf32, #tpu.memory_space<vmem>>
    %dma_wait3A_316 = arith.constant 0 : i32
    %dma_wait3A_317 = arith.constant 0 : i32
    %dma_wait3A_318 = tpu.memref_slice %arg4[%dma_wait3A_316, %dma_wait3A_317] : memref<160x32xf32, #tpu.memory_space<hbm>> -> memref<160x32xf32, #tpu.memory_space<hbm>>
    tpu.wait_indirect_dma semaphore(%arg7 : memref<!tpu.dma_semaphore, #tpu.memory_space<semaphore_mem>>) src(%dma_wait3A_315 : memref<16x32xf32, #tpu.memory_space<vmem>>) dst(%dma_wait3A_318 : memref<160x32xf32, #tpu.memory_space<hbm>>)
    return
  }
}

module attributes {stable_mosaic.version = 14 : i64} {
  func.func @_class_body(%arg0: i32, %arg1: memref<1x8x1024xf32, #tpu.memory_space<vmem>>, %arg2: memref<1x1024x8xf32, #tpu.memory_space<vmem>>, %arg3: memref<1x1024x16xf32, #tpu.memory_space<vmem>>, %arg4: memref<1x1024x32xf32, #tpu.memory_space<vmem>>, %arg5: memref<1x1x1024xf32, #tpu.memory_space<vmem>>, %arg6: memref<1x1024x1xf32, #tpu.memory_space<vmem>>) attributes {dimension_semantics = [#tpu.dimension_semantics<arbitrary>], iteration_bounds = array<i64: 8>, scalar_prefetch = 0 : i64, scratch_operands = 0 : i64, tpu.core_type = #tpu.core_type<tc>, window_params = [{transform_indices = @transform_0, window_bounds = array<i64: 1, 8, 1024>}, {transform_indices = @transform_1, window_bounds = array<i64: 1, 1024, 8>}, {transform_indices = @transform_2, window_bounds = array<i64: 1, 1024, 16>}, {transform_indices = @transform_3, window_bounds = array<i64: 1, 1024, 32>}, {transform_indices = @transform_4, window_bounds = array<i64: 1, 1, 1024>}, {transform_indices = @transform_5, window_bounds = array<i64: 1, 1024, 1>}]} {
    %get3A = arith.constant 0 : index
    %get3A_0 = arith.constant 0 : index
    %get3A_1 = arith.constant 0 : index
    %get3A_2 = vector.load %arg1[%get3A, %get3A_0, %get3A_1] : memref<1x8x1024xf32, #tpu.memory_space<vmem>>, vector<1x8x1024xf32>
    %get3A_3 = vector.shape_cast %get3A_2 : vector<1x8x1024xf32> to vector<8x1024xf32>
    %get3A_4 = arith.constant 0 : index
    %get3A_5 = arith.constant 0 : index
    %get3A_6 = arith.constant 0 : index
    %get3A_7 = vector.load %arg2[%get3A_4, %get3A_5, %get3A_6] : memref<1x1024x8xf32, #tpu.memory_space<vmem>>, vector<1x1024x8xf32>
    %get3A_8 = vector.shape_cast %get3A_7 : vector<1x1024x8xf32> to vector<1024x8xf32>
    %get3A_9 = arith.constant 0 : index
    %get3A_10 = arith.constant 0 : index
    %get3A_11 = arith.constant 0 : index
    %get3A_12 = vector.load %arg3[%get3A_9, %get3A_10, %get3A_11] : memref<1x1024x16xf32, #tpu.memory_space<vmem>>, vector<1x1024x16xf32>
    %get3A_13 = vector.shape_cast %get3A_12 : vector<1x1024x16xf32> to vector<1024x16xf32>
    %slice3A = vector.extract_strided_slice %get3A_3 {offsets = [0, 0], sizes = [1, 1024], strides = [1, 1]} : vector<8x1024xf32> to vector<1x1024xf32>
    %slice3A_14 = vector.extract_strided_slice %get3A_3 {offsets = [1, 0], sizes = [1, 1024], strides = [1, 1]} : vector<8x1024xf32> to vector<1x1024xf32>
    %slice3A_15 = vector.extract_strided_slice %get3A_3 {offsets = [2, 0], sizes = [1, 1024], strides = [1, 1]} : vector<8x1024xf32> to vector<1x1024xf32>
    %slice3A_16 = vector.extract_strided_slice %get3A_3 {offsets = [3, 0], sizes = [1, 1024], strides = [1, 1]} : vector<8x1024xf32> to vector<1x1024xf32>
    %slice3A_17 = vector.extract_strided_slice %get3A_3 {offsets = [4, 0], sizes = [1, 1024], strides = [1, 1]} : vector<8x1024xf32> to vector<1x1024xf32>
    %slice3A_18 = vector.extract_strided_slice %get3A_3 {offsets = [5, 0], sizes = [1, 1024], strides = [1, 1]} : vector<8x1024xf32> to vector<1x1024xf32>
    %slice3A_19 = vector.extract_strided_slice %get3A_8 {offsets = [0, 0], sizes = [1024, 1], strides = [1, 1]} : vector<1024x8xf32> to vector<1024x1xf32>
    %slice3A_20 = vector.extract_strided_slice %get3A_8 {offsets = [0, 1], sizes = [1024, 1], strides = [1, 1]} : vector<1024x8xf32> to vector<1024x1xf32>
    %slice3A_21 = vector.extract_strided_slice %get3A_8 {offsets = [0, 2], sizes = [1024, 1], strides = [1, 1]} : vector<1024x8xf32> to vector<1024x1xf32>
    %slice3A_22 = vector.extract_strided_slice %get3A_8 {offsets = [0, 3], sizes = [1024, 1], strides = [1, 1]} : vector<1024x8xf32> to vector<1024x1xf32>
    %slice3A_23 = vector.extract_strided_slice %get3A_8 {offsets = [0, 4], sizes = [1024, 1], strides = [1, 1]} : vector<1024x8xf32> to vector<1024x1xf32>
    %slice3A_24 = vector.extract_strided_slice %get3A_8 {offsets = [0, 5], sizes = [1024, 1], strides = [1, 1]} : vector<1024x8xf32> to vector<1024x1xf32>
    %slice3A_25 = vector.extract_strided_slice %get3A_8 {offsets = [0, 6], sizes = [1024, 1], strides = [1, 1]} : vector<1024x8xf32> to vector<1024x1xf32>
    %max3A = vector.broadcast %slice3A_19 : vector<1024x1xf32> to vector<1024x1024xf32>
    %max3A_26 = vector.broadcast %slice3A : vector<1x1024xf32> to vector<1024x1024xf32>
    %max3A_27 = arith.maximumf %max3A, %max3A_26 : vector<1024x1024xf32>
    %max3A_28 = vector.broadcast %slice3A_20 : vector<1024x1xf32> to vector<1024x1024xf32>
    %max3A_29 = vector.broadcast %slice3A_14 : vector<1x1024xf32> to vector<1024x1024xf32>
    %max3A_30 = arith.maximumf %max3A_28, %max3A_29 : vector<1024x1024xf32>
    %min3A = vector.broadcast %slice3A_21 : vector<1024x1xf32> to vector<1024x1024xf32>
    %min3A_31 = vector.broadcast %slice3A_15 : vector<1x1024xf32> to vector<1024x1024xf32>
    %min3A_32 = arith.minimumf %min3A, %min3A_31 : vector<1024x1024xf32>
    %min3A_33 = vector.broadcast %slice3A_22 : vector<1024x1xf32> to vector<1024x1024xf32>
    %min3A_34 = vector.broadcast %slice3A_16 : vector<1x1024xf32> to vector<1024x1024xf32>
    %min3A_35 = arith.minimumf %min3A_33, %min3A_34 : vector<1024x1024xf32>
    %sub3A = arith.subf %min3A_32, %max3A_27 : vector<1024x1024xf32>
    %add3A = arith.constant 1.000000e+00 : f32
    %add3A_36 = vector.broadcast %add3A : f32 to vector<1024x1024xf32>
    %add3A_37 = arith.addf %sub3A, %add3A_36 : vector<1024x1024xf32>
    %sub3A_38 = arith.subf %min3A_35, %max3A_30 : vector<1024x1024xf32>
    %add3A_39 = arith.constant 1.000000e+00 : f32
    %add3A_40 = vector.broadcast %add3A_39 : f32 to vector<1024x1024xf32>
    %add3A_41 = arith.addf %sub3A_38, %add3A_40 : vector<1024x1024xf32>
    %mul3A = arith.mulf %add3A_37, %add3A_41 : vector<1024x1024xf32>
    %sub3A_42 = arith.subf %slice3A_21, %slice3A_19 : vector<1024x1xf32>
    %add3A_43 = arith.constant 1.000000e+00 : f32
    %add3A_44 = vector.broadcast %add3A_43 : f32 to vector<1024x1xf32>
    %add3A_45 = arith.addf %sub3A_42, %add3A_44 : vector<1024x1xf32>
    %sub3A_46 = arith.subf %slice3A_22, %slice3A_20 : vector<1024x1xf32>
    %add3A_47 = arith.constant 1.000000e+00 : f32
    %add3A_48 = vector.broadcast %add3A_47 : f32 to vector<1024x1xf32>
    %add3A_49 = arith.addf %sub3A_46, %add3A_48 : vector<1024x1xf32>
    %mul3A_50 = arith.mulf %add3A_45, %add3A_49 : vector<1024x1xf32>
    %sub3A_51 = arith.subf %slice3A_15, %slice3A : vector<1x1024xf32>
    %add3A_52 = arith.constant 1.000000e+00 : f32
    %add3A_53 = vector.broadcast %add3A_52 : f32 to vector<1x1024xf32>
    %add3A_54 = arith.addf %sub3A_51, %add3A_53 : vector<1x1024xf32>
    %sub3A_55 = arith.subf %slice3A_16, %slice3A_14 : vector<1x1024xf32>
    %add3A_56 = arith.constant 1.000000e+00 : f32
    %add3A_57 = vector.broadcast %add3A_56 : f32 to vector<1x1024xf32>
    %add3A_58 = arith.addf %sub3A_55, %add3A_57 : vector<1x1024xf32>
    %mul3A_59 = arith.mulf %add3A_54, %add3A_58 : vector<1x1024xf32>
    %add3A_60 = vector.broadcast %mul3A_50 : vector<1024x1xf32> to vector<1024x1024xf32>
    %add3A_61 = vector.broadcast %mul3A_59 : vector<1x1024xf32> to vector<1024x1024xf32>
    %add3A_62 = arith.addf %add3A_60, %add3A_61 : vector<1024x1024xf32>
    %sub3A_63 = arith.subf %add3A_62, %mul3A : vector<1024x1024xf32>
    %eq3A = arith.constant 0.000000e+00 : f32
    %eq3A_64 = vector.broadcast %eq3A : f32 to vector<1024x1024xf32>
    %eq3A_65 = arith.cmpf oeq, %sub3A_63, %eq3A_64 : vector<1024x1024xf32>
    %eq3A_66 = arith.constant 0.000000e+00 : f32
    %eq3A_67 = vector.broadcast %eq3A_66 : f32 to vector<1024x1024xf32>
    %eq3A_68 = arith.cmpf oeq, %sub3A_63, %eq3A_67 : vector<1024x1024xf32>
    %jit3A = arith.constant 1.000000e+00 : f32
    %broadcast_in_dim3A = vector.broadcast %jit3A : f32 to vector<1024x1024xf32>
    %select_n3A = arith.select %eq3A_68, %broadcast_in_dim3A, %sub3A_63 : vector<1024x1024xi1>, vector<1024x1024xf32>
    %div3A = arith.divf %mul3A, %select_n3A : vector<1024x1024xf32>
    %jit3A_69 = arith.constant 0.000000e+00 : f32
    %broadcast_in_dim3A_70 = vector.broadcast %jit3A_69 : f32 to vector<1024x1024xf32>
    %select_n3A_71 = arith.select %eq3A_65, %broadcast_in_dim3A_70, %div3A : vector<1024x1024xi1>, vector<1024x1024xf32>
    %le3A = arith.constant 0.000000e+00 : f32
    %le3A_72 = vector.broadcast %le3A : f32 to vector<1024x1024xf32>
    %le3A_73 = arith.cmpf ole, %add3A_37, %le3A_72 : vector<1024x1024xf32>
    %jit3A_74 = arith.constant 0.000000e+00 : f32
    %broadcast_in_dim3A_75 = vector.broadcast %jit3A_74 : f32 to vector<1024x1024xf32>
    %select_n3A_76 = arith.select %le3A_73, %broadcast_in_dim3A_75, %select_n3A_71 : vector<1024x1024xi1>, vector<1024x1024xf32>
    %le3A_77 = arith.constant 0.000000e+00 : f32
    %le3A_78 = vector.broadcast %le3A_77 : f32 to vector<1024x1024xf32>
    %le3A_79 = arith.cmpf ole, %add3A_41, %le3A_78 : vector<1024x1024xf32>
    %jit3A_80 = arith.constant 0.000000e+00 : f32
    %broadcast_in_dim3A_81 = vector.broadcast %jit3A_80 : f32 to vector<1024x1024xf32>
    %select_n3A_82 = arith.select %le3A_79, %broadcast_in_dim3A_81, %select_n3A_76 : vector<1024x1024xi1>, vector<1024x1024xf32>
    %gt3A = arith.constant 5.000000e-01 : f32
    %gt3A_83 = vector.broadcast %gt3A : f32 to vector<1024x1xf32>
    %gt3A_84 = arith.cmpf ogt, %slice3A_23, %gt3A_83 : vector<1024x1xf32>
    %gt3A_85 = arith.constant 5.000000e-01 : f32
    %gt3A_86 = vector.broadcast %gt3A_85 : f32 to vector<1x1024xf32>
    %gt3A_87 = arith.cmpf ogt, %slice3A_17, %gt3A_86 : vector<1x1024xf32>
    %gt3A_88 = arith.constant 5.000000e-01 : f32
    %gt3A_89 = vector.broadcast %gt3A_88 : f32 to vector<1024x1024xf32>
    %gt3A_90 = arith.cmpf ogt, %select_n3A_82, %gt3A_89 : vector<1024x1024xf32>
    %and3A = vector.broadcast %gt3A_84 : vector<1024x1xi1> to vector<1024x1024xi1>
    %and3A_91 = arith.andi %gt3A_90, %and3A : vector<1024x1024xi1>
    %and3A_92 = vector.broadcast %gt3A_87 : vector<1x1024xi1> to vector<1024x1024xi1>
    %and3A_93 = arith.andi %and3A_91, %and3A_92 : vector<1024x1024xi1>
    %iota3A = tpu.iota {dimensions = array<i32: 1>} : vector<1024x1024xi32>
    %convert_element_type3A = arith.sitofp %iota3A : vector<1024x1024xi32> to vector<1024x1024xf32>
    %iota3A_94 = tpu.iota {dimensions = array<i32: 0>} : vector<1024x1024xi32>
    %convert_element_type3A_95 = arith.sitofp %iota3A_94 : vector<1024x1024xi32> to vector<1024x1024xf32>
    %jit3A_96 = arith.constant 9.999900e+04 : f32
    %broadcast_in_dim3A_97 = vector.broadcast %jit3A_96 : f32 to vector<1024x1024xf32>
    %select_n3A_98 = arith.select %and3A_93, %convert_element_type3A, %broadcast_in_dim3A_97 : vector<1024x1024xi1>, vector<1024x1024xf32>
    %reduce_min3A = arith.constant dense<0x7F800000> : vector<1024xf32>
    %reduce_min3A_99 = vector.multi_reduction <minimumf>, %select_n3A_98, %reduce_min3A [1] : vector<1024x1024xf32> to vector<1024xf32>
    %broadcast_in_dim3A_100 = vector.shape_cast %reduce_min3A_99 : vector<1024xf32> to vector<1024x1xf32>
    %jit3A_101 = arith.constant 9.999900e+04 : f32
    %broadcast_in_dim3A_102 = vector.broadcast %jit3A_101 : f32 to vector<1024x1024xf32>
    %select_n3A_103 = arith.select %and3A_93, %convert_element_type3A_95, %broadcast_in_dim3A_102 : vector<1024x1024xi1>, vector<1024x1024xf32>
    %reduce_min3A_104 = arith.constant dense<0x7F800000> : vector<1024xf32>
    %reduce_min3A_105 = vector.multi_reduction <minimumf>, %select_n3A_103, %reduce_min3A_104 [0] : vector<1024x1024xf32> to vector<1024xf32>
    %broadcast_in_dim3A_106 = vector.shape_cast %reduce_min3A_105 : vector<1024xf32> to vector<1x1024xf32>
    %eq3A_107 = vector.broadcast %broadcast_in_dim3A_100 : vector<1024x1xf32> to vector<1024x1024xf32>
    %eq3A_108 = arith.cmpf oeq, %convert_element_type3A, %eq3A_107 : vector<1024x1024xf32>
    %jit3A_109 = arith.constant -1.000000e+00 : f32
    %broadcast_in_dim3A_110 = vector.broadcast %jit3A_109 : f32 to vector<1024x1024xf32>
    %select_n3A_111 = arith.select %eq3A_108, %select_n3A_82, %broadcast_in_dim3A_110 : vector<1024x1024xi1>, vector<1024x1024xf32>
    %reduce_max3A = arith.constant dense<0xFF800000> : vector<1024xf32>
    %reduce_max3A_112 = vector.multi_reduction <maximumf>, %select_n3A_111, %reduce_max3A [1] : vector<1024x1024xf32> to vector<1024xf32>
    %broadcast_in_dim3A_113 = vector.shape_cast %reduce_max3A_112 : vector<1024xf32> to vector<1024x1xf32>
    %eq3A_114 = vector.broadcast %broadcast_in_dim3A_106 : vector<1x1024xf32> to vector<1024x1024xf32>
    %eq3A_115 = arith.cmpf oeq, %convert_element_type3A_95, %eq3A_114 : vector<1024x1024xf32>
    %jit3A_116 = arith.constant -1.000000e+00 : f32
    %broadcast_in_dim3A_117 = vector.broadcast %jit3A_116 : f32 to vector<1024x1024xf32>
    %select_n3A_118 = arith.select %eq3A_115, %select_n3A_82, %broadcast_in_dim3A_117 : vector<1024x1024xi1>, vector<1024x1024xf32>
    %reduce_max3A_119 = arith.constant dense<0xFF800000> : vector<1024xf32>
    %reduce_max3A_120 = vector.multi_reduction <maximumf>, %select_n3A_118, %reduce_max3A_119 [0] : vector<1024x1024xf32> to vector<1024xf32>
    %broadcast_in_dim3A_121 = vector.shape_cast %reduce_max3A_120 : vector<1024xf32> to vector<1x1024xf32>
    %sub3A_122 = arith.constant 1.000000e+00 : f32
    %sub3A_123 = vector.broadcast %sub3A_122 : f32 to vector<1024x1xf32>
    %sub3A_124 = arith.subf %sub3A_123, %broadcast_in_dim3A_113 : vector<1024x1xf32>
    %mul3A_125 = arith.mulf %sub3A_124, %slice3A_24 : vector<1024x1xf32>
    %sub3A_126 = arith.constant 1.000000e+00 : f32
    %sub3A_127 = vector.broadcast %sub3A_126 : f32 to vector<1x1024xf32>
    %sub3A_128 = arith.subf %sub3A_127, %broadcast_in_dim3A_121 : vector<1x1024xf32>
    %mul3A_129 = arith.mulf %sub3A_128, %slice3A_18 : vector<1x1024xf32>
    %lt3A = arith.constant 9.999900e+04 : f32
    %lt3A_130 = vector.broadcast %lt3A : f32 to vector<1024x1xf32>
    %lt3A_131 = arith.cmpf olt, %broadcast_in_dim3A_100, %lt3A_130 : vector<1024x1xf32>
    %ne3A = arith.constant 0.000000e+00 : f32
    %ne3A_132 = vector.broadcast %ne3A : f32 to vector<1024x1xf32>
    %ne3A_133 = arith.cmpf one, %mul3A_125, %ne3A_132 : vector<1024x1xf32>
    %and3A_134 = arith.andi %lt3A_131, %ne3A_133 : vector<1024x1xi1>
    %lt3A_135 = arith.constant 9.999900e+04 : f32
    %lt3A_136 = vector.broadcast %lt3A_135 : f32 to vector<1x1024xf32>
    %lt3A_137 = arith.cmpf olt, %broadcast_in_dim3A_106, %lt3A_136 : vector<1x1024xf32>
    %ne3A_138 = arith.constant 0.000000e+00 : f32
    %ne3A_139 = vector.broadcast %ne3A_138 : f32 to vector<1x1024xf32>
    %ne3A_140 = arith.cmpf one, %mul3A_129, %ne3A_139 : vector<1x1024xf32>
    %and3A_141 = arith.andi %lt3A_137, %ne3A_140 : vector<1x1024xi1>
    %eq3A_142 = vector.broadcast %broadcast_in_dim3A_106 : vector<1x1024xf32> to vector<1024x1024xf32>
    %eq3A_143 = vector.broadcast %broadcast_in_dim3A_100 : vector<1024x1xf32> to vector<1024x1024xf32>
    %eq3A_144 = arith.cmpf oeq, %eq3A_142, %eq3A_143 : vector<1024x1024xf32>
    %lt3A_145 = vector.broadcast %mul3A_129 : vector<1x1024xf32> to vector<1024x1024xf32>
    %lt3A_146 = vector.broadcast %mul3A_125 : vector<1024x1xf32> to vector<1024x1024xf32>
    %lt3A_147 = arith.cmpf olt, %lt3A_145, %lt3A_146 : vector<1024x1024xf32>
    %eq3A_148 = vector.broadcast %mul3A_129 : vector<1x1024xf32> to vector<1024x1024xf32>
    %eq3A_149 = vector.broadcast %mul3A_125 : vector<1024x1xf32> to vector<1024x1024xf32>
    %eq3A_150 = arith.cmpf oeq, %eq3A_148, %eq3A_149 : vector<1024x1024xf32>
    %lt3A_151 = arith.cmpf olt, %convert_element_type3A, %convert_element_type3A_95 : vector<1024x1024xf32>
    %and3A_152 = arith.andi %eq3A_150, %lt3A_151 : vector<1024x1024xi1>
    %or3A = arith.ori %lt3A_147, %and3A_152 : vector<1024x1024xi1>
    %and3A_153 = vector.broadcast %and3A_141 : vector<1x1024xi1> to vector<1024x1024xi1>
    %and3A_154 = arith.andi %eq3A_144, %and3A_153 : vector<1024x1024xi1>
    %and3A_155 = arith.andi %and3A_154, %or3A : vector<1024x1024xi1>
    %jit3A_156 = arith.constant 1.000000e+00 : f32
    %jit3A_157 = arith.constant 0.000000e+00 : f32
    %broadcast_in_dim3A_158 = vector.broadcast %jit3A_156 : f32 to vector<1024x1024xf32>
    %broadcast_in_dim3A_159 = vector.broadcast %jit3A_157 : f32 to vector<1024x1024xf32>
    %select_n3A_160 = arith.select %and3A_155, %broadcast_in_dim3A_158, %broadcast_in_dim3A_159 : vector<1024x1024xi1>, vector<1024x1024xf32>
    %reduce_sum3A = arith.constant dense<0.000000e+00> : vector<1024xf32>
    %reduce_sum3A_161 = vector.multi_reduction <add>, %select_n3A_160, %reduce_sum3A [1] : vector<1024x1024xf32> to vector<1024xf32>
    %broadcast_in_dim3A_162 = vector.shape_cast %reduce_sum3A_161 : vector<1024xf32> to vector<1024x1xf32>
    %lt3A_163 = vector.broadcast %mul3A_125 : vector<1024x1xf32> to vector<1024x1024xf32>
    %lt3A_164 = vector.broadcast %mul3A_129 : vector<1x1024xf32> to vector<1024x1024xf32>
    %lt3A_165 = arith.cmpf olt, %lt3A_163, %lt3A_164 : vector<1024x1024xf32>
    %eq3A_166 = vector.broadcast %mul3A_125 : vector<1024x1xf32> to vector<1024x1024xf32>
    %eq3A_167 = vector.broadcast %mul3A_129 : vector<1x1024xf32> to vector<1024x1024xf32>
    %eq3A_168 = arith.cmpf oeq, %eq3A_166, %eq3A_167 : vector<1024x1024xf32>
    %lt3A_169 = arith.cmpf olt, %convert_element_type3A_95, %convert_element_type3A : vector<1024x1024xf32>
    %and3A_170 = arith.andi %eq3A_168, %lt3A_169 : vector<1024x1024xi1>
    %or3A_171 = arith.ori %lt3A_165, %and3A_170 : vector<1024x1024xi1>
    %and3A_172 = vector.broadcast %and3A_134 : vector<1024x1xi1> to vector<1024x1024xi1>
    %and3A_173 = arith.andi %eq3A_144, %and3A_172 : vector<1024x1024xi1>
    %and3A_174 = arith.andi %and3A_173, %or3A_171 : vector<1024x1024xi1>
    %jit3A_175 = arith.constant 1.000000e+00 : f32
    %jit3A_176 = arith.constant 0.000000e+00 : f32
    %broadcast_in_dim3A_177 = vector.broadcast %jit3A_175 : f32 to vector<1024x1024xf32>
    %broadcast_in_dim3A_178 = vector.broadcast %jit3A_176 : f32 to vector<1024x1024xf32>
    %select_n3A_179 = arith.select %and3A_174, %broadcast_in_dim3A_177, %broadcast_in_dim3A_178 : vector<1024x1024xi1>, vector<1024x1024xf32>
    %reduce_sum3A_180 = arith.constant dense<0.000000e+00> : vector<1024xf32>
    %reduce_sum3A_181 = vector.multi_reduction <add>, %select_n3A_179, %reduce_sum3A_180 [0] : vector<1024x1024xf32> to vector<1024xf32>
    %broadcast_in_dim3A_182 = vector.shape_cast %reduce_sum3A_181 : vector<1024xf32> to vector<1x1024xf32>
    %lt3A_183 = arith.constant 1.100000e+01 : f32
    %lt3A_184 = vector.broadcast %lt3A_183 : f32 to vector<1024x1xf32>
    %lt3A_185 = arith.cmpf olt, %broadcast_in_dim3A_162, %lt3A_184 : vector<1024x1xf32>
    %and3A_186 = arith.andi %and3A_134, %lt3A_185 : vector<1024x1xi1>
    %lt3A_187 = arith.constant 1.100000e+01 : f32
    %lt3A_188 = vector.broadcast %lt3A_187 : f32 to vector<1x1024xf32>
    %lt3A_189 = arith.cmpf olt, %broadcast_in_dim3A_182, %lt3A_188 : vector<1x1024xf32>
    %and3A_190 = arith.andi %and3A_141, %lt3A_189 : vector<1x1024xi1>
    %eq3A_191 = vector.broadcast %broadcast_in_dim3A_106 : vector<1x1024xf32> to vector<1024x1024xf32>
    %eq3A_192 = arith.cmpf oeq, %convert_element_type3A_95, %eq3A_191 : vector<1024x1024xf32>
    %and3A_193 = vector.broadcast %and3A_190 : vector<1x1024xi1> to vector<1024x1024xi1>
    %and3A_194 = arith.andi %eq3A_192, %and3A_193 : vector<1024x1024xi1>
    %jit3A_195 = arith.constant 1.000000e+00 : f32
    %jit3A_196 = arith.constant 0.000000e+00 : f32
    %broadcast_in_dim3A_197 = vector.broadcast %jit3A_195 : f32 to vector<1024x1024xf32>
    %broadcast_in_dim3A_198 = vector.broadcast %jit3A_196 : f32 to vector<1024x1024xf32>
    %select_n3A_199 = arith.select %and3A_194, %broadcast_in_dim3A_197, %broadcast_in_dim3A_198 : vector<1024x1024xi1>, vector<1024x1024xf32>
    %eq3A_200 = vector.broadcast %broadcast_in_dim3A_100 : vector<1024x1xf32> to vector<1024x1024xf32>
    %eq3A_201 = arith.cmpf oeq, %convert_element_type3A, %eq3A_200 : vector<1024x1024xf32>
    %and3A_202 = vector.broadcast %and3A_186 : vector<1024x1xi1> to vector<1024x1024xi1>
    %and3A_203 = arith.andi %eq3A_201, %and3A_202 : vector<1024x1024xi1>
    %jit3A_204 = arith.constant 1.000000e+00 : f32
    %jit3A_205 = arith.constant 0.000000e+00 : f32
    %broadcast_in_dim3A_206 = vector.broadcast %jit3A_204 : f32 to vector<1024x1024xf32>
    %broadcast_in_dim3A_207 = vector.broadcast %jit3A_205 : f32 to vector<1024x1024xf32>
    %select_n3A_208 = arith.select %and3A_203, %broadcast_in_dim3A_206, %broadcast_in_dim3A_207 : vector<1024x1024xi1>, vector<1024x1024xf32>
    %convert_element_type3A_209 = arith.truncf %get3A_13 : vector<1024x16xf32> to vector<1024x16xbf16>
    %convert_element_type3A_210 = arith.extf %convert_element_type3A_209 : vector<1024x16xbf16> to vector<1024x16xf32>
    %sub3A_211 = arith.subf %get3A_13, %convert_element_type3A_210 : vector<1024x16xf32>
    %dot_general3A = arith.constant dense<0.000000e+00> : vector<1024x16xf32>
    %dot_general3A_212 = tpu.matmul %select_n3A_199, %convert_element_type3A_210, %dot_general3A {dimension_numbers = #tpu.dot_dimension_numbers<[1], [0], [0], [1], [0, 0, 1, 1], [], []>, transpose_lhs_hint = false} : vector<1024x1024xf32>, vector<1024x16xf32>, vector<1024x16xf32> -> vector<1024x16xf32>
    %dot_general3A_213 = arith.constant dense<0.000000e+00> : vector<1024x16xf32>
    %dot_general3A_214 = tpu.matmul %select_n3A_199, %sub3A_211, %dot_general3A_213 {dimension_numbers = #tpu.dot_dimension_numbers<[1], [0], [0], [1], [0, 0, 1, 1], [], []>, transpose_lhs_hint = false} : vector<1024x1024xf32>, vector<1024x16xf32>, vector<1024x16xf32> -> vector<1024x16xf32>
    %add3A_215 = arith.addf %dot_general3A_212, %dot_general3A_214 : vector<1024x16xf32>
    %reduce_sum3A_216 = arith.constant dense<0.000000e+00> : vector<1024xf32>
    %reduce_sum3A_217 = vector.multi_reduction <add>, %select_n3A_199, %reduce_sum3A_216 [1] : vector<1024x1024xf32> to vector<1024xf32>
    %broadcast_in_dim3A_218 = vector.shape_cast %reduce_sum3A_217 : vector<1024xf32> to vector<1024x1xf32>
    %reduce_sum3A_219 = arith.constant dense<0.000000e+00> : vector<1024xf32>
    %reduce_sum3A_220 = vector.multi_reduction <add>, %select_n3A_208, %reduce_sum3A_219 [0] : vector<1024x1024xf32> to vector<1024xf32>
    %broadcast_in_dim3A_221 = vector.shape_cast %reduce_sum3A_220 : vector<1024xf32> to vector<1x1024xf32>
    %eq3A_222 = arith.constant 0.000000e+00 : f32
    %eq3A_223 = vector.broadcast %eq3A_222 : f32 to vector<1024x1xf32>
    %eq3A_224 = arith.cmpf oeq, %broadcast_in_dim3A_218, %eq3A_223 : vector<1024x1xf32>
    %jit3A_225 = arith.constant 1.000000e+00 : f32
    %broadcast_in_dim3A_226 = vector.broadcast %jit3A_225 : f32 to vector<1024x1xf32>
    %select_n3A_227 = arith.select %eq3A_224, %broadcast_in_dim3A_226, %broadcast_in_dim3A_218 : vector<1024x1xi1>, vector<1024x1xf32>
    %eq3A_228 = arith.constant 0.000000e+00 : f32
    %eq3A_229 = vector.broadcast %eq3A_228 : f32 to vector<1024x1xf32>
    %eq3A_230 = arith.cmpf oeq, %broadcast_in_dim3A_218, %eq3A_229 : vector<1024x1xf32>
    %slice3A_231 = vector.extract_strided_slice %add3A_215 {offsets = [0, 0], sizes = [1024, 12], strides = [1, 1]} : vector<1024x16xf32> to vector<1024x12xf32>
    %div3A_232 = vector.broadcast %select_n3A_227 : vector<1024x1xf32> to vector<1024x12xf32>
    %div3A_233 = arith.divf %slice3A_231, %div3A_232 : vector<1024x12xf32>
    %jit3A_234 = arith.constant 0.000000e+00 : f32
    %broadcast_in_dim3A_235 = vector.shape_cast %eq3A_230 : vector<1024x1xi1> to vector<1024x1xi1>
    %broadcast_in_dim3A_236 = vector.broadcast %broadcast_in_dim3A_235 : vector<1024x1xi1> to vector<1024x12xi1>
    %broadcast_in_dim3A_237 = vector.broadcast %jit3A_234 : f32 to vector<1024x12xf32>
    %select_n3A_238 = arith.select %broadcast_in_dim3A_236, %broadcast_in_dim3A_237, %div3A_233 : vector<1024x12xi1>, vector<1024x12xf32>
    %slice3A_239 = vector.extract_strided_slice %add3A_215 {offsets = [0, 12], sizes = [1024, 4], strides = [1, 1]} : vector<1024x16xf32> to vector<1024x4xf32>
    %div3A_240 = vector.broadcast %select_n3A_227 : vector<1024x1xf32> to vector<1024x4xf32>
    %div3A_241 = arith.divf %slice3A_239, %div3A_240 : vector<1024x4xf32>
    %jit3A_242 = arith.constant 0.000000e+00 : f32
    %broadcast_in_dim3A_243 = vector.shape_cast %eq3A_230 : vector<1024x1xi1> to vector<1024x1xi1>
    %broadcast_in_dim3A_244 = vector.broadcast %broadcast_in_dim3A_243 : vector<1024x1xi1> to vector<1024x4xi1>
    %broadcast_in_dim3A_245 = vector.broadcast %jit3A_242 : f32 to vector<1024x4xf32>
    %select_n3A_246 = arith.select %broadcast_in_dim3A_244, %broadcast_in_dim3A_245, %div3A_241 : vector<1024x4xi1>, vector<1024x4xf32>
    %jit3A_247 = arith.constant 1.000000e+00 : f32
    %jit3A_248 = arith.constant 0.000000e+00 : f32
    %broadcast_in_dim3A_249 = vector.broadcast %jit3A_247 : f32 to vector<1x1024xf32>
    %broadcast_in_dim3A_250 = vector.broadcast %jit3A_248 : f32 to vector<1x1024xf32>
    %select_n3A_251 = arith.select %gt3A_87, %broadcast_in_dim3A_249, %broadcast_in_dim3A_250 : vector<1x1024xi1>, vector<1x1024xf32>
    %reduce_max3A_252 = vector.shape_cast %select_n3A_251 : vector<1x1024xf32> to vector<1x1x1024xf32>
    %reduce_max3A_253 = arith.constant dense<0xFF800000> : vector<1xf32>
    %reduce_max3A_254 = vector.multi_reduction <maximumf>, %reduce_max3A_252, %reduce_max3A_253 [1, 2] : vector<1x1x1024xf32> to vector<1xf32>
    %reduce_max3A_255 = vector.shape_cast %reduce_max3A_254 : vector<1xf32> to vector<1x1x1xf32>
    %reduce_max3A_256 = vector.extract %reduce_max3A_255[0, 0, 0] : f32 from vector<1x1x1xf32>
    %iota3A_257 = tpu.iota {dimensions = array<i32: 0>} : vector<1024x1xi32>
    %convert_element_type3A_258 = arith.sitofp %iota3A_257 : vector<1024x1xi32> to vector<1024x1xf32>
    %iota3A_259 = tpu.iota {dimensions = array<i32: 1>} : vector<1x1024xi32>
    %convert_element_type3A_260 = arith.sitofp %iota3A_259 : vector<1x1024xi32> to vector<1x1024xf32>
    %lt3A_261 = arith.constant 1.000000e+03 : f32
    %lt3A_262 = vector.broadcast %lt3A_261 : f32 to vector<1024x1xf32>
    %lt3A_263 = arith.cmpf olt, %convert_element_type3A_258, %lt3A_262 : vector<1024x1xf32>
    %gt3A_264 = arith.constant 0.000000e+00 : f32
    %gt3A_265 = vector.broadcast %gt3A_264 : f32 to vector<1024x1xf32>
    %gt3A_266 = arith.cmpf ogt, %broadcast_in_dim3A_218, %gt3A_265 : vector<1024x1xf32>
    %and3A_267 = arith.andi %gt3A_266, %gt3A_84 : vector<1024x1xi1>
    %and3A_268 = arith.andi %and3A_267, %lt3A_263 : vector<1024x1xi1>
    %gt3A_269 = arith.constant 0.000000e+00 : f32
    %gt3A_270 = vector.broadcast %gt3A_269 : f32 to vector<1x1024xf32>
    %gt3A_271 = arith.cmpf ogt, %broadcast_in_dim3A_221, %gt3A_270 : vector<1x1024xf32>
    %and3A_272 = arith.andi %gt3A_271, %gt3A_87 : vector<1x1024xi1>
    %lt3A_273 = arith.constant 1.000000e+03 : f32
    %lt3A_274 = vector.broadcast %lt3A_273 : f32 to vector<1x1024xf32>
    %lt3A_275 = arith.cmpf olt, %convert_element_type3A_260, %lt3A_274 : vector<1x1024xf32>
    %and3A_276 = arith.andi %and3A_272, %lt3A_275 : vector<1x1024xi1>
    %jit3A_277 = arith.constant -1.000000e+30 : f32
    %broadcast_in_dim3A_278 = vector.broadcast %jit3A_277 : f32 to vector<1024x1xf32>
    %select_n3A_279 = arith.select %and3A_268, %slice3A_23, %broadcast_in_dim3A_278 : vector<1024x1xi1>, vector<1024x1xf32>
    %jit3A_280 = arith.constant -1.000000e+30 : f32
    %broadcast_in_dim3A_281 = vector.broadcast %jit3A_280 : f32 to vector<1x1024xf32>
    %select_n3A_282 = arith.select %and3A_276, %slice3A_17, %broadcast_in_dim3A_281 : vector<1x1024xi1>, vector<1x1024xf32>
    %eq3A_283 = arith.constant 0.000000e+00 : f32
    %eq3A_284 = arith.cmpf oeq, %reduce_max3A_256, %eq3A_283 : f32
    %eq3A_285 = arith.constant 1.000000e+03 : f32
    %eq3A_286 = vector.broadcast %eq3A_285 : f32 to vector<1024x1xf32>
    %eq3A_287 = arith.cmpf oeq, %convert_element_type3A_258, %eq3A_286 : vector<1024x1xf32>
    %and3A_288 = vector.broadcast %eq3A_284 : i1 to vector<1024x1xi1>
    %and3A_289 = arith.andi %eq3A_287, %and3A_288 : vector<1024x1xi1>
    %select_n3A_290 = arith.select %and3A_289, %slice3A_25, %select_n3A_279 : vector<1024x1xi1>, vector<1024x1xf32>
    %eq3A_291 = arith.constant 1.000000e+03 : f32
    %eq3A_292 = vector.broadcast %eq3A_291 : f32 to vector<1x1024xf32>
    %eq3A_293 = arith.cmpf oeq, %convert_element_type3A_260, %eq3A_292 : vector<1x1024xf32>
    %and3A_294 = vector.broadcast %eq3A_284 : i1 to vector<1x1024xi1>
    %and3A_295 = arith.andi %eq3A_293, %and3A_294 : vector<1x1024xi1>
    %slice3A_296 = vector.extract_strided_slice %get3A_3 {offsets = [6, 0], sizes = [1, 1024], strides = [1, 1]} : vector<8x1024xf32> to vector<1x1024xf32>
    %select_n3A_297 = arith.select %and3A_295, %slice3A_296, %select_n3A_282 : vector<1x1024xi1>, vector<1x1024xf32>
    %swap3A = arith.constant 0 : index
    %swap3A_298 = arith.constant 0 : index
    %swap3A_299 = arith.constant 0 : index
    %swap3A_300 = vector.load %arg6[%swap3A, %swap3A_298, %swap3A_299] : memref<1x1024x1xf32, #tpu.memory_space<vmem>>, vector<1x1024x1xf32>
    %swap3A_301 = vector.shape_cast %swap3A_300 : vector<1x1024x1xf32> to vector<1024x1xf32>
    %swap3A_302 = vector.shape_cast %select_n3A_290 : vector<1024x1xf32> to vector<1x1024x1xf32>
    tpu.vector_store %arg6[%swap3A, %swap3A_298, %swap3A_299], %swap3A_302 {strides = array<i32>} : memref<1x1024x1xf32, #tpu.memory_space<vmem>>, vector<1x1024x1xf32>,
    %swap3A_303 = arith.constant 0 : index
    %swap3A_304 = arith.constant 0 : index
    %swap3A_305 = arith.constant 0 : index
    %swap3A_306 = vector.load %arg5[%swap3A_303, %swap3A_304, %swap3A_305] : memref<1x1x1024xf32, #tpu.memory_space<vmem>>, vector<1x1x1024xf32>
    %swap3A_307 = vector.shape_cast %swap3A_306 : vector<1x1x1024xf32> to vector<1x1024xf32>
    %swap3A_308 = vector.shape_cast %select_n3A_297 : vector<1x1024xf32> to vector<1x1x1024xf32>
    tpu.vector_store %arg5[%swap3A_303, %swap3A_304, %swap3A_305], %swap3A_308 {strides = array<i32>} : memref<1x1x1024xf32, #tpu.memory_space<vmem>>, vector<1x1x1024xf32>,
    %convert_element_type3A_309 = arith.sitofp %arg0 : i32 to f32
    %broadcast_in_dim3A_310 = vector.broadcast %convert_element_type3A_309 : f32 to vector<1024x1xf32>
    %jit3A_311 = arith.constant -1.000000e+00 : f32
    %broadcast_in_dim3A_312 = vector.shape_cast %and3A_268 : vector<1024x1xi1> to vector<1024x1xi1>
    %broadcast_in_dim3A_313 = vector.broadcast %broadcast_in_dim3A_312 : vector<1024x1xi1> to vector<1024x4xi1>
    %broadcast_in_dim3A_314 = vector.broadcast %jit3A_311 : f32 to vector<1024x4xf32>
    %select_n3A_315 = arith.select %broadcast_in_dim3A_313, %select_n3A_246, %broadcast_in_dim3A_314 : vector<1024x4xi1>, vector<1024x4xf32>
    %jit3A_316 = arith.constant -1.000000e+00 : f32
    %broadcast_in_dim3A_317 = vector.shape_cast %and3A_268 : vector<1024x1xi1> to vector<1024x1xi1>
    %broadcast_in_dim3A_318 = vector.broadcast %broadcast_in_dim3A_317 : vector<1024x1xi1> to vector<1024x12xi1>
    %broadcast_in_dim3A_319 = vector.broadcast %jit3A_316 : f32 to vector<1024x12xf32>
    %select_n3A_320 = arith.select %broadcast_in_dim3A_318, %select_n3A_238, %broadcast_in_dim3A_319 : vector<1024x12xi1>, vector<1024x12xf32>
    %eq3A_321 = arith.constant -1.000000e+30 : f32
    %eq3A_322 = vector.broadcast %eq3A_321 : f32 to vector<1024x1xf32>
    %eq3A_323 = arith.cmpf oeq, %select_n3A_290, %eq3A_322 : vector<1024x1xf32>
    %jit3A_324 = arith.constant -1.000000e+00 : f32
    %broadcast_in_dim3A_325 = vector.broadcast %jit3A_324 : f32 to vector<1024x1xf32>
    %select_n3A_326 = arith.select %eq3A_323, %broadcast_in_dim3A_325, %select_n3A_290 : vector<1024x1xi1>, vector<1024x1xf32>
    %jit3A_327 = arith.constant -1.000000e+00 : f32
    %broadcast_in_dim3A_328 = vector.broadcast %jit3A_327 : f32 to vector<1024x1xf32>
    %select_n3A_329 = arith.select %and3A_268, %broadcast_in_dim3A_310, %broadcast_in_dim3A_328 : vector<1024x1xi1>, vector<1024x1xf32>
    %broadcast_in_dim3A_330 = arith.constant 0.000000e+00 : f32
    %broadcast_in_dim3A_331 = vector.broadcast %broadcast_in_dim3A_330 : f32 to vector<1024x14xf32>
    %concatenate3A = tpu.concatenate %select_n3A_315, %select_n3A_320, %select_n3A_326, %select_n3A_329, %broadcast_in_dim3A_331 in 1 : vector<1024x4xf32>, vector<1024x12xf32>, vector<1024x1xf32>, vector<1024x1xf32>, vector<1024x14xf32> -> vector<1024x32xf32>
    %swap3A_332 = arith.constant 0 : index
    %swap3A_333 = arith.constant 0 : index
    %swap3A_334 = arith.constant 0 : index
    %swap3A_335 = vector.load %arg4[%swap3A_332, %swap3A_333, %swap3A_334] : memref<1x1024x32xf32, #tpu.memory_space<vmem>>, vector<1x1024x32xf32>
    %swap3A_336 = vector.shape_cast %swap3A_335 : vector<1x1024x32xf32> to vector<1024x32xf32>
    %swap3A_337 = vector.shape_cast %concatenate3A : vector<1024x32xf32> to vector<1x1024x32xf32>
    tpu.vector_store %arg4[%swap3A_332, %swap3A_333, %swap3A_334], %swap3A_337 {strides = array<i32>} : memref<1x1024x32xf32, #tpu.memory_space<vmem>>, vector<1x1024x32xf32>,
    return
  }
  func.func @transform_0(%arg0: i32) -> (i32, i32, i32) {
    %c0_i32 = arith.constant 0 : i32
    %c0_i32_0 = arith.constant 0 : i32
    %c0_i32_1 = arith.constant 0 : i32
    return %arg0, %c0_i32, %c0_i32_0 : i32, i32, i32
  }
  func.func @transform_1(%arg0: i32) -> (i32, i32, i32) {
    %c0_i32 = arith.constant 0 : i32
    %c0_i32_0 = arith.constant 0 : i32
    %c0_i32_1 = arith.constant 0 : i32
    return %arg0, %c0_i32, %c0_i32_0 : i32, i32, i32
  }
  func.func @transform_2(%arg0: i32) -> (i32, i32, i32) {
    %c0_i32 = arith.constant 0 : i32
    %c0_i32_0 = arith.constant 0 : i32
    %c0_i32_1 = arith.constant 0 : i32
    return %arg0, %c0_i32, %c0_i32_0 : i32, i32, i32
  }
  func.func @transform_3(%arg0: i32) -> (i32, i32, i32) {
    %c0_i32 = arith.constant 0 : i32
    %c0_i32_0 = arith.constant 0 : i32
    %c0_i32_1 = arith.constant 0 : i32
    return %arg0, %c0_i32, %c0_i32_0 : i32, i32, i32
  }
  func.func @transform_4(%arg0: i32) -> (i32, i32, i32) {
    %c0_i32 = arith.constant 0 : i32
    %c0_i32_0 = arith.constant 0 : i32
    %c0_i32_1 = arith.constant 0 : i32
    return %arg0, %c0_i32, %c0_i32_0 : i32, i32, i32
  }
  func.func @transform_5(%arg0: i32) -> (i32, i32, i32) {
    %c0_i32 = arith.constant 0 : i32
    %c0_i32_0 = arith.constant 0 : i32
    %c0_i32_1 = arith.constant 0 : i32
    return %arg0, %c0_i32, %c0_i32_0 : i32, i32, i32
  }
}

module attributes {stable_mosaic.version = 14 : i64} {
  func.func @_rank_body(%arg0: i32, %arg1: memref<1x8192xf32, #tpu.memory_space<vmem>>, %arg2: memref<128x1xf32, #tpu.memory_space<vmem>>, %arg3: memref<128x1xf32, #tpu.memory_space<vmem>>) attributes {dimension_semantics = [#tpu.dimension_semantics<arbitrary>], iteration_bounds = array<i64: 64>, scalar_prefetch = 0 : i64, scratch_operands = 0 : i64, tpu.core_type = #tpu.core_type<tc>, window_params = [{pipeline_mode = #tpu.pipeline_mode<synchronous>, transform_indices = @transform_0, window_bounds = array<i64: 1, 8192>}, {transform_indices = @transform_1, window_bounds = array<i64: 128, 1>}, {transform_indices = @transform_2, window_bounds = array<i64: 128, 1>}]} {
    %get3A = arith.constant 0 : index
    %get3A_0 = arith.constant 0 : index
    %get3A_1 = vector.load %arg1[%get3A, %get3A_0] : memref<1x8192xf32, #tpu.memory_space<vmem>>, vector<1x8192xf32>
    %get3A_2 = arith.constant 0 : index
    %get3A_3 = arith.constant 0 : index
    %get3A_4 = vector.load %arg2[%get3A_2, %get3A_3] : memref<128x1xf32, #tpu.memory_space<vmem>>, vector<128x1xf32>
    %iota3A = tpu.iota {dimensions = array<i32: 0>} : vector<128x1xi32>
    %convert_element_type3A = arith.sitofp %iota3A : vector<128x1xi32> to vector<128x1xf32>
    %convert_element_type3A_5 = arith.sitofp %arg0 : i32 to f32
    %mul3A = arith.constant 1.280000e+02 : f32
    %mul3A_6 = arith.mulf %convert_element_type3A_5, %mul3A : f32
    %add3A = vector.broadcast %mul3A_6 : f32 to vector<128x1xf32>
    %add3A_7 = arith.addf %convert_element_type3A, %add3A : vector<128x1xf32>
    %iota3A_8 = tpu.iota {dimensions = array<i32: 1>} : vector<128x8192xi32>
    %convert_element_type3A_9 = arith.sitofp %iota3A_8 : vector<128x8192xi32> to vector<128x8192xf32>
    %gt3A = vector.broadcast %get3A_1 : vector<1x8192xf32> to vector<128x8192xf32>
    %gt3A_10 = vector.broadcast %get3A_4 : vector<128x1xf32> to vector<128x8192xf32>
    %gt3A_11 = arith.cmpf ogt, %gt3A, %gt3A_10 : vector<128x8192xf32>
    %eq3A = vector.broadcast %get3A_1 : vector<1x8192xf32> to vector<128x8192xf32>
    %eq3A_12 = vector.broadcast %get3A_4 : vector<128x1xf32> to vector<128x8192xf32>
    %eq3A_13 = arith.cmpf oeq, %eq3A, %eq3A_12 : vector<128x8192xf32>
    %lt3A = vector.broadcast %add3A_7 : vector<128x1xf32> to vector<128x8192xf32>
    %lt3A_14 = arith.cmpf olt, %convert_element_type3A_9, %lt3A : vector<128x8192xf32>
    %and3A = arith.andi %eq3A_13, %lt3A_14 : vector<128x8192xi1>
    %or3A = arith.ori %gt3A_11, %and3A : vector<128x8192xi1>
    %jit3A = arith.constant 1.000000e+00 : f32
    %jit3A_15 = arith.constant 0.000000e+00 : f32
    %broadcast_in_dim3A = vector.broadcast %jit3A : f32 to vector<128x8192xf32>
    %broadcast_in_dim3A_16 = vector.broadcast %jit3A_15 : f32 to vector<128x8192xf32>
    %select_n3A = arith.select %or3A, %broadcast_in_dim3A, %broadcast_in_dim3A_16 : vector<128x8192xi1>, vector<128x8192xf32>
    %reduce_sum3A = arith.constant dense<0.000000e+00> : vector<128xf32>
    %reduce_sum3A_17 = vector.multi_reduction <add>, %select_n3A, %reduce_sum3A [1] : vector<128x8192xf32> to vector<128xf32>
    %broadcast_in_dim3A_18 = vector.shape_cast %reduce_sum3A_17 : vector<128xf32> to vector<128x1xf32>
    %swap3A = arith.constant 0 : index
    %swap3A_19 = arith.constant 0 : index
    %swap3A_20 = vector.load %arg3[%swap3A, %swap3A_19] : memref<128x1xf32, #tpu.memory_space<vmem>>, vector<128x1xf32>
    tpu.vector_store %arg3[%swap3A, %swap3A_19], %broadcast_in_dim3A_18 {strides = array<i32>} : memref<128x1xf32, #tpu.memory_space<vmem>>, vector<128x1xf32>,
    return
  }
  func.func @transform_0(%arg0: i32) -> (i32, i32) {
    %c0_i32 = arith.constant 0 : i32
    %c0_i32_0 = arith.constant 0 : i32
    %c0_i32_1 = arith.constant 0 : i32
    return %c0_i32, %c0_i32_0 : i32, i32
  }
  func.func @transform_1(%arg0: i32) -> (i32, i32) {
    %c0_i32 = arith.constant 0 : i32
    %c0_i32_0 = arith.constant 0 : i32
    return %arg0, %c0_i32 : i32, i32
  }
  func.func @transform_2(%arg0: i32) -> (i32, i32) {
    %c0_i32 = arith.constant 0 : i32
    %c0_i32_0 = arith.constant 0 : i32
    return %arg0, %c0_i32 : i32, i32
  }
}

</mosaic_0001>

<sc_bundles>
// kernel: kernel.5.cloned.1.call-start
scs
__scs_entry_jumppad:
0x0: {  	(pc) =	sbr.rel $0x88, $3  }
0x1: {  	(tag) =	ssettag $0x0;
	lr =	simm.s32 $0x1  }
0x2: {  	[smem:$0x3F9D] =	sst lr;
	_ =	strace $0xD0000000  }
0x3: {  	_ = 	snop  }
0x4: {  	_ = 	snop  }
0x5: {  	_ = 	snop  }
0x6: {  	_ = 	snop  }
0x7: {  	_ = 	snop  }
__scs_overlays_trampoline_lowered:
0x8: {  	[smem:$0x3FAC] =	sst s0  }
0x9: {  	[smem:$0x3FAD] =	sst s1  }
0xa: {  	[smem:$0x3FAE] =	sst s2  }
0xb: {  	[smem:$0x3FAF] =	sst s3  }
0xc: {  	[smem:$0x3FB0] =	sst s4  }
0xd: {  	[smem:$0x3FB1] =	sst s5  }
0xe: {  	[smem:$0x3FB2] =	sst s6  }
0xf: {  	[smem:$0x3FB3] =	sst s7  }
0x10: {  	[smem:$0x3FB4] =	sst s8  }
0x11: {  	[smem:$0x3FB5] =	sst s9;
	s0 =	simm.s32 @!p0 $0x0  }
0x12: {  	s1 =	sld [smem:$0x3F9B];
	s0 =	simm.s32 @p0 $0x1  }
0x13: {  	[smem:$0x3FB6] =	sst s0;
	s0 =	simm.s32 @!p1 $0x0  }
0x14: {  	s2 =	sld [smem:$0x3F9A];
	s0 =	simm.s32 @p1 $0x1  }
0x15: {  	[smem:$0x3FB7] =	sst s0;
	s0 =	simm.s32 @!p2 $0x0  }
0x16: {  	s3 =	sld [smem:$0x3FDB];
	s0 =	simm.s32 @p2 $0x1  }
0x17: {  	s4 =	simm.s32 $0x1BF5;
	[smem:$0x3FB9] =	sst s0  }
0x18: {  	s0 =	sld [smem:$0x3F9C];
	_ =	swait.ge [sflag:s4], $0x0  }
0x19: {  	s7 =	sld [smem:$0x3F9D]  }
0x1a: {  	s8 =	sadd.s32 $0xFFFFE003, lr  }
0x1b: {  	s9 =	sadd.s32 $0xFFFFFEF7, lr;
	s5 =	simm.s32 $0xFFFFFFFF;
	p2 =	slt.u32 s8, $0xFFFFF086  }
0x1c: {  	p1 =	slt.u32 s9, $0xF7A;
	s5 =	simm.s32 @!p2 $0x0  }
0x1d: {  	s5 =	simm.s32 @p1 $0x1;
	p0 =	seq.s32 s7, s2  }
0x1e: {  	s7 =	smul.u32 @!p0 $0xF7A, s2;
	p2 =	seq.s32 @!p0 s5, $0x0  }
0x1f: {  	s9 =	smul.u32 $0xF7A, s1;
	s8 =	simm.s32 @!p0 $0x1BF5;
	p2 =	por !p2, p0  }
0x20: {  	[sflag:s8] =	ssyncset.s32 @!p0 $0xFFFFF086;
	s6 =	sadd.s32 @!p0 s3, s7;
	s7 =	simm.s32 @!p0 $0x108  }
0x21: {  	s3 =	sadd.s32 s3, s9;
	s6 =	sadd.s32 @!p0 $0x88, s6;
	s7 =	simm.s32 @p2 $0x1082  }
0x22: {  	[simem:s7], [sflag:s8] =	dma.local @!p0 [hbm:s6], $0xF7A  }
0x23: {  	s9 =	sor.u32 $0xD0000000, s2;
	s6 =	simm.s32 $0x108;
	_ =	swait.ge @!p0 [sflag:s8], $0x0  }
0x24: {  	s3 =	sadd.s32 $0x88, s3;
	s6 =	simm.s32 @!p1 $0x1082;
	[sflag:s4] =	ssyncset.s32 $0xFFFFF086  }
0x25: {  	[simem:s6], [sflag:s4] =	dma.local [hbm:s3], $0xF7A  }
0x26: {  	[smem:$0x3F9D] =	sst s1;
	(tag) =	ssettag s2;
	_ =	strace s9  }
0x27: {  	s1 =	sld [smem:$0x3FAD]  }
0x28: {  	s2 =	sld [smem:$0x3FAE]  }
0x29: {  	s4 =	sld [smem:$0x3FB0]  }
0x2a: {  	p0 =	seq.s32 s5, $0x0;
	s5 =	sld [smem:$0x3FB1]  }
0x2b: {  	s6 =	sld [smem:$0x3FB2]  }
0x2c: {  	s7 =	sld [smem:$0x3FB3]  }
0x2d: {  	s3 =	simm.s32 $0x108;
	s8 =	sld [smem:$0x3FB4]  }
0x2e: {  	s3 =	simm.s32 @!p0 $0x1082;
	s9 =	sld [smem:$0x3FB5]  }
0x2f: {  	lr =	sadd.s32 s0, s3;
	s0 =	sld [smem:$0x3FAC]  }
0x30: {  	s3 =	sld [smem:$0x3FAF]  }
0x31: {  	[smem:$0x3FB8] =	sst s10  }
0x32: {  	s10 =	sld [smem:$0x3FB6];
	_ =	sdelay $0x3  }
0x33: {  	p0 =	seq.s32 s10, $0x1;
	s10 =	sld [smem:$0x3FB8];
	_ =	sdelay $0x3  }
0x34: {  	[smem:$0x3FB8] =	sst s10  }
0x35: {  	s10 =	sld [smem:$0x3FB7];
	_ =	sdelay $0x3  }
0x36: {  	p1 =	seq.s32 s10, $0x1;
	s10 =	sld [smem:$0x3FB8];
	_ =	sdelay $0x3  }
0x37: {  	[smem:$0x3FB8] =	sst s10  }
0x38: {  	s10 =	sld [smem:$0x3FB9]  }
0x39: {  	_ = 	snop;
	(pc) =	sbr.ind lr, $3  }
0x3a: {  	_ = 	snop  }
0x3b: {  	_ = 	snop  }
0x3c: {  	p2 =	seq.s32 s10, $0x1;
	s10 =	sld [smem:$0x3FB8]  }
0x3d: {  	_ =	shalt  }
0x3e: {  	_ =	shalt  }
0x3f: {  	_ =	shalt  }
0x40: {  	_ =	shalt  }
0x41: {  	_ =	shalt  }
0x42: {  	_ =	shalt  }
0x43: {  	_ =	shalt  }
0x44: {  	_ =	shalt  }
0x45: {  	_ =	shalt  }
0x46: {  	_ =	shalt  }
0x47: {  	_ =	shalt  }
0x48: {  	_ =	shalt  }
0x49: {  	_ =	shalt  }
0x4a: {  	_ =	shalt  }
0x4b: {  	_ =	shalt  }
0x4c: {  	_ =	shalt  }
0x4d: {  	_ =	shalt  }
0x4e: {  	_ =	shalt  }
0x4f: {  	_ =	shalt  }
0x50: {  	_ =	shalt  }
0x51: {  	_ =	shalt  }
0x52: {  	_ =	shalt  }
0x53: {  	_ =	shalt  }
0x54: {  	_ =	shalt  }
0x55: {  	_ =	shalt  }
0x56: {  	_ =	shalt  }
0x57: {  	_ =	shalt  }
0x58: {  	_ =	shalt  }
0x59: {  	_ =	shalt  }
0x5a: {  	_ =	shalt  }
0x5b: {  	_ =	shalt  }
0x5c: {  	_ =	shalt  }
0x5d: {  	_ =	shalt  }
0x5e: {  	_ =	shalt  }
0x5f: {  	_ =	shalt  }
0x60: {  	_ =	shalt  }
0x61: {  	_ =	shalt  }
0x62: {  	_ =	shalt  }
0x63: {  	_ =	shalt  }
0x64: {  	_ =	shalt  }
0x65: {  	_ =	shalt  }
0x66: {  	_ =	shalt  }
0x67: {  	_ =	shalt  }
0x68: {  	_ =	shalt  }
0x69: {  	_ =	shalt  }
0x6a: {  	_ =	shalt  }
0x6b: {  	_ =	shalt  }
0x6c: {  	_ =	shalt  }
0x6d: {  	_ =	shalt  }
0x6e: {  	_ =	shalt  }
0x6f: {  	_ =	shalt  }
0x70: {  	_ =	shalt  }
0x71: {  	_ =	shalt  }
0x72: {  	_ =	shalt  }
0x73: {  	_ =	shalt  }
0x74: {  	_ =	shalt  }
0x75: {  	_ =	shalt  }
0x76: {  	_ =	shalt  }
0x77: {  	_ =	shalt  }
0x78: {  	_ =	shalt  }
0x79: {  	_ =	shalt  }
0x7a: {  	_ =	shalt  }
0x7b: {  	_ =	shalt  }
0x7c: {  	_ =	shalt  }
0x7d: {  	_ =	shalt  }
0x7e: {  	_ =	shalt  }
0x7f: {  	_ =	shalt  }
0x80: {  	_ =	shalt  }
0x81: {  	_ =	shalt  }
0x82: {  	_ =	shalt  }
0x83: {  	_ =	shalt  }
0x84: {  	_ =	shalt  }
0x85: {  	_ =	shalt  }
0x86: {  	_ =	shalt  }
0x87: {  	_ =	shalt  }
.Lfunc_end0:
.L_simem_size_0:
called_computation_lowered:
.L_overlay_start_0:
0x88: {  	s2 =	sld [smem:$0x3FD9]  }
0x89: {  	s3 =	sld [smem:$0x3FFE];
	_ =	sdelay $0x1  }
0x8a: {  	s1 =	srdreg.scid  }
0x8b: {  	s0 =	sand.u32 $0x1, s1  }
0x8c: {  	s16 =	sshll.u32 s0, $0xA;
	s2 =	sadd.s32 s3, s2  }
0x8d: {  	s2 =	sadd.s32 s2, s16  }
0x8e: {  	[smem:$0x3FC4] =	sst s2  }
0x8f: {  	_ = 	snop  }
0x90: {  	(tm) =	ssettm $0x1  }
0x91: {  	s17 =	sld [smem:$0x3FFB];
	_ =	sdelay $0x3  }
0x92: {  	_ =	strace s17  }
0x93: {  	s2 =	sld [smem:$0x3FFC];
	_ =	sdelay $0x3  }
0x94: {  	_ =	strace s2  }
0x95: {  	s2 =	sld [smem:$0x3FFD];
	_ =	sdelay $0x3  }
0x96: {  	_ =	strace s2  }
0x97: {  	_ =	strace $0x8FFFFFFF  }
0x98: {  	s18 =	sld [smem:$0x3FDB];
	_ =	sdelay $0x1  }
0x99: {  	s19 =	simm.s32 $_scs_section_size  }
0x9a: {  	s4 =	simm.s32 $_size__tile_overlayer_lowered;
	s5 =	simm.s32 $_tile_overlayer_lowered  }
0x9b: {  	s22 =	simm.s32 $0x1BFF;
	s21 =	sshll.u32 s5, $0x1;
	s2 =	sadd.s32 s19, s18  }
0x9c: {  	s6 =	simm.s32 $0x0;
	s20 =	sshll.u32 s4, $0x1;
	s4 =	sadd.s32 s21, s2  }
0x9d: {  	[timem:s6], [sflag:s22] =	dma.local [hbm:s4], s20  }
0x9e: {  	_ =	swait.ge [sflag:s22], s20  }
0x9f: {  	s3 =	ssub.s32 $0x0, s20;
	[sflag:s22] =	ssyncset.done $0x0  }
0xa0: {  	[sflag:s22] =	ssyncadd.s32 s3;
	_ =	sdelay $0x1  }
0xa1: {  	s23 =	simm.s32 $0x1B8B  }
0xa2: {  	_ =	swait.ge [sflag:s23], $0x1  }
0xa3: {  	[sflag:s23] =	ssyncset.done $0x0  }
0xa4: {  	s25 =	simm.s32 $0x1B8E;
	s24 =	sld [smem:$0x3FFE];
	[sflag:s23] =	ssyncadd.s32 $0xFFFFFFFF  }
0xa5: {  	s26 =	simm.s32 $execute0_lowered;
	[smem:$0x3FD2] =	sst s25  }
0xa6: {  	s4 =	sshll.u32 s26, $0x1;
	_ =	strace $0x80000046;
	[dreg:$0x1] =	wrdreg $0xFFFFFFFF  }
0xa7: {  	s28 =	simm.s32 $_size_execute0_lowered;
	s2 =	sadd.s32 s2, s4;
	[dreg:$0x0] =	wrdreg $0x0  }
0xa8: {  	s4 =	sshll.u32 s28, $0x1;
	[dreg:$0x2] =	wrdreg s2  }
0xa9: {  	[dreg:$0x3] =	wrdreg s4  }
0xaa: {  	[dreg:$0x4] =	wrdreg $0xC0  }
0xab: {  	_ =	task [dreg:s6], $0x5FFFF  }
0xac: {  	[dreg:$0x1] =	wrdreg $0xFFFFFFFF  }
0xad: {  	[dreg:$0x0] =	wrdreg $0x60  }
0xae: {  	[dreg:$0x2] =	wrdreg s24  }
0xaf: {  	[dreg:$0x3] =	wrdreg $0x9  }
0xb0: {  	_ =	task.clear_ibuf [dreg:s6], $0x4FFFF;
	_ =	strace $0x90000046  }
0xb1: {  	s29 =	simm.s32 $0x9;
	_ =	strace $0x80000048  }
0xb2: {  	_ =	swait.ge [sflag:s29], $0x1  }
0xb3: {  	[sflag:s29] =	ssyncadd.s32 $0xFFFFFFFF  }
0xb4: {  	_ =	strace $0x90000048  }
0xb5: {  	_ =	sfence  }
0xb6: {  	s30 =	sld [smem:$0x0];
	_ =	sdelay $0x2  }
0xb7: {  	s31 =	sshll.u32 s1, $0xD;
	s1 =	sshrl.u32 s1, $0x2  }
0xb8: {  	s3 =	sand.u32 $0x4000, s31;
	s1 =	sadd.s32 s1, s30  }
0xb9: {  	s0 =	sor.u32 s3, s0;
	s1 =	sshll.u32 s1, $0x11  }
0xba: {  	s0 =	sor.u32 s1, s0  }
0xbb: {  	s0 =	sadd.s32 $0x8F2B, s0  }
0xbc: {  	[sflag:s0] =	ssyncadd.remote.s32 $0x1  }
0xbd: {  	_ =	sfence.sel $0xFFFF  }
0xbe: {  	[dreg:$0x0] =	wrdreg $0xFFFFFFFF;
	(pc) =	sbr.abs _section_cstart, $3  }
0xbf: {  	[dreg:$0x1] =	wrdreg $0xFFFFFFFF  }
0xc0: {  	_ =	task.clear_ibuf [dreg:s6], $0x2FFFF;
	_ =	strace $0x9FFFFFFF  }
0xc1: {  	(tm) =	ssettm $0x7FFFFFFF  }
tec
execute0_lowered:
.L_overlay_start_1:
0x0: {  	(tag) =	ssettag $0x1  }
0x1: {  	s4 =	rddreg [dreg:$0x0]  }
0x2: {  	s0 =	rddreg [dreg:$0x1];
	s3 =	srdreg.scid  }
0x3: {  	s1 =	stileid.u32;
	s2 =	simm.s32 $0x0;
	s10 =	simm.s32 $0x500  }
0x4: {  	s11 =	simm.s32 $0x700;
	s12 =	simm.s32 $0x900;
	s13 =	simm.s32 $0xB00  }
0x5: {  	s14 =	simm.s32 $0xD00;
	s15 =	simm.s32 $0xF00;
	s16 =	simm.s32 $0x1100  }
0x6: {  	s17 =	simm.s32 $0x1300;
	s18 =	simm.s32 $0x1500;
	s19 =	simm.s32 $0x1700  }
0x7: {  	s20 =	simm.s32 $0x1900;
	s21 =	simm.s32 $0x1B00;
	s23 =	simm.s32 $0x1F00  }
0x8: {  	s3 =	sand.u32 $0x1, s3;
	s5 =	sshll.u32 s1, $0x1;
	[smem:$0x7FF] =	sst s2  }
0x9: {  	s24 =	simm.s32 $0x1;
	s6 =	sor.u32 s3, s5;
	_ =	strace $0x80000047  }
0xa: {  	s7 =	ssub.s32 $0x2, s3;
	s3 =	sadd.s32 $0x8400, s4;
	s5 =	sshll.u32 s6, $0xA  }
0xb: {  	s8 =	sshrl.u32 s7, $0x1;
	s9 =	sshll.u32 s6, $0x5;
	s22 =	sor.u32 $0x80, s6  }
0xc: {  	s5 =	sadd.s32 s5, s4;
	s7 =	ssub.s32 s7, s8;
	s4 =	sadd.s32 s4, s9  }
0xd: {  	s8 =	simm.s32 $0x100;
	s9 =	simm.s32 $0x300;
	v0 =	vmov s22;
	s22 =	simm.s32 $0x1D00  }
0xe: {  	vm0 =	vmmov $0xffff;
	s5 =	sadd.s32 $0x400, s5;
	s6 =	smax.u32 s7, $0x1;
	s7 =	simm.s32 $0x2  }
.LBB2_1:
0xf: {  	[tilespmem:s2], [sflag:$0x2] =	stream.linear.gather [hbm4b:s4+s2], $0x100, $0x38;
	[tilespmem:$0x2100] =	vst v63  }
0x10: {  	_ =	swait.ge [sflag:s7], $0x100  }
0x11: {  	[sflag:s7] =	ssyncset.done $0x0  }
0x12: {  	[sflag:s7] =	ssyncadd.s32 $0xFFFFFF00  }
0x13: {  	[tilespmem:s8], [sflag:$0x2] =	stream.linear.gather [hbm4b:s5+s2], $0x2000, $0x38;
	[tilespmem:$0x2100] =	vst v63  }
0x14: {  	_ =	swait.ge [sflag:s7], $0x2000  }
0x15: {  	[sflag:s7] =	ssyncset.done $0x0  }
0x16: {  	[sflag:s7] =	ssyncadd.s32 $0xFFFFE000  }
0x17: {  	v1 =	vld [tilespmem:$0x0];
	_ =	sdelay $0x4  }
0x18: {  	vm1 =	vlt.s32 v1, $0x80  }
0x19: {  	v1 =	vsel vm1, v1, v0;
	_ =	sdelay $0x4  }
0x1a: {  	[hbm4b:s3+s2] =	stream.indirect_vreg.scatter [tilespmem:s8], [sflag:$0x1], $0x20, v1, vm0, $0xb8;
	[tilespmem:$0x2100] =	vst v63  }
0x1b: {  	v1 =	vld [tilespmem:$0x10];
	_ =	sdelay $0x4  }
0x1c: {  	vm1 =	vlt.s32 v1, $0x80  }
0x1d: {  	v1 =	vsel vm1, v1, v0;
	_ =	sdelay $0x4  }
0x1e: {  	[hbm4b:s3+s2] =	stream.indirect_vreg.scatter [tilespmem:s9], [sflag:$0x1], $0x20, v1, vm0, $0xb8;
	[tilespmem:$0x2100] =	vst v63  }
0x1f: {  	v1 =	vld [tilespmem:$0x20];
	_ =	sdelay $0x4  }
0x20: {  	vm1 =	vlt.s32 v1, $0x80  }
0x21: {  	v1 =	vsel vm1, v1, v0;
	_ =	sdelay $0x4  }
0x22: {  	[hbm4b:s3+s2] =	stream.indirect_vreg.scatter [tilespmem:s10], [sflag:$0x1], $0x20, v1, vm0, $0xb8;
	[tilespmem:$0x2100] =	vst v63  }
0x23: {  	v1 =	vld [tilespmem:$0x30];
	_ =	sdelay $0x4  }
0x24: {  	vm1 =	vlt.s32 v1, $0x80  }
0x25: {  	v1 =	vsel vm1, v1, v0;
	_ =	sdelay $0x4  }
0x26: {  	[hbm4b:s3+s2] =	stream.indirect_vreg.scatter [tilespmem:s11], [sflag:$0x1], $0x20, v1, vm0, $0xb8;
	[tilespmem:$0x2100] =	vst v63  }
0x27: {  	v1 =	vld [tilespmem:$0x40];
	_ =	sdelay $0x4  }
0x28: {  	vm1 =	vlt.s32 v1, $0x80  }
0x29: {  	v1 =	vsel vm1, v1, v0;
	_ =	sdelay $0x4  }
0x2a: {  	[hbm4b:s3+s2] =	stream.indirect_vreg.scatter [tilespmem:s12], [sflag:$0x1], $0x20, v1, vm0, $0xb8;
	[tilespmem:$0x2100] =	vst v63  }
0x2b: {  	v1 =	vld [tilespmem:$0x50];
	_ =	sdelay $0x4  }
0x2c: {  	vm1 =	vlt.s32 v1, $0x80  }
0x2d: {  	v1 =	vsel vm1, v1, v0;
	_ =	sdelay $0x4  }
0x2e: {  	[hbm4b:s3+s2] =	stream.indirect_vreg.scatter [tilespmem:s13], [sflag:$0x1], $0x20, v1, vm0, $0xb8;
	[tilespmem:$0x2100] =	vst v63  }
0x2f: {  	v1 =	vld [tilespmem:$0x60];
	_ =	sdelay $0x4  }
0x30: {  	vm1 =	vlt.s32 v1, $0x80  }
0x31: {  	v1 =	vsel vm1, v1, v0;
	_ =	sdelay $0x4  }
0x32: {  	[hbm4b:s3+s2] =	stream.indirect_vreg.scatter [tilespmem:s14], [sflag:$0x1], $0x20, v1, vm0, $0xb8;
	[tilespmem:$0x2100] =	vst v63  }
0x33: {  	v1 =	vld [tilespmem:$0x70];
	_ =	sdelay $0x4  }
0x34: {  	vm1 =	vlt.s32 v1, $0x80  }
0x35: {  	v1 =	vsel vm1, v1, v0;
	_ =	sdelay $0x4  }
0x36: {  	[hbm4b:s3+s2] =	stream.indirect_vreg.scatter [tilespmem:s15], [sflag:$0x1], $0x20, v1, vm0, $0xb8;
	[tilespmem:$0x2100] =	vst v63  }
0x37: {  	v1 =	vld [tilespmem:$0x80];
	_ =	sdelay $0x4  }
0x38: {  	vm1 =	vlt.s32 v1, $0x80  }
0x39: {  	v1 =	vsel vm1, v1, v0;
	_ =	sdelay $0x4  }
0x3a: {  	[hbm4b:s3+s2] =	stream.indirect_vreg.scatter [tilespmem:s16], [sflag:$0x1], $0x20, v1, vm0, $0xb8;
	[tilespmem:$0x2100] =	vst v63  }
0x3b: {  	v1 =	vld [tilespmem:$0x90];
	_ =	sdelay $0x4  }
0x3c: {  	vm1 =	vlt.s32 v1, $0x80  }
0x3d: {  	v1 =	vsel vm1, v1, v0;
	_ =	sdelay $0x4  }
0x3e: {  	[hbm4b:s3+s2] =	stream.indirect_vreg.scatter [tilespmem:s17], [sflag:$0x1], $0x20, v1, vm0, $0xb8;
	[tilespmem:$0x2100] =	vst v63  }
0x3f: {  	v1 =	vld [tilespmem:$0xA0];
	_ =	sdelay $0x4  }
0x40: {  	vm1 =	vlt.s32 v1, $0x80  }
0x41: {  	v1 =	vsel vm1, v1, v0;
	_ =	sdelay $0x4  }
0x42: {  	[hbm4b:s3+s2] =	stream.indirect_vreg.scatter [tilespmem:s18], [sflag:$0x1], $0x20, v1, vm0, $0xb8;
	[tilespmem:$0x2100] =	vst v63  }
0x43: {  	v1 =	vld [tilespmem:$0xB0];
	_ =	sdelay $0x4  }
0x44: {  	vm1 =	vlt.s32 v1, $0x80  }
0x45: {  	v1 =	vsel vm1, v1, v0;
	_ =	sdelay $0x4  }
0x46: {  	[hbm4b:s3+s2] =	stream.indirect_vreg.scatter [tilespmem:s19], [sflag:$0x1], $0x20, v1, vm0, $0xb8;
	[tilespmem:$0x2100] =	vst v63  }
0x47: {  	v1 =	vld [tilespmem:$0xC0];
	_ =	sdelay $0x4  }
0x48: {  	vm1 =	vlt.s32 v1, $0x80  }
0x49: {  	v1 =	vsel vm1, v1, v0;
	_ =	sdelay $0x4  }
0x4a: {  	[hbm4b:s3+s2] =	stream.indirect_vreg.scatter [tilespmem:s20], [sflag:$0x1], $0x20, v1, vm0, $0xb8;
	[tilespmem:$0x2100] =	vst v63  }
0x4b: {  	v1 =	vld [tilespmem:$0xD0];
	_ =	sdelay $0x4  }
0x4c: {  	vm1 =	vlt.s32 v1, $0x80  }
0x4d: {  	v1 =	vsel vm1, v1, v0;
	_ =	sdelay $0x4  }
0x4e: {  	[hbm4b:s3+s2] =	stream.indirect_vreg.scatter [tilespmem:s21], [sflag:$0x1], $0x20, v1, vm0, $0xb8;
	[tilespmem:$0x2100] =	vst v63  }
0x4f: {  	v1 =	vld [tilespmem:$0xE0];
	_ =	sdelay $0x4  }
0x50: {  	vm1 =	vlt.s32 v1, $0x80  }
0x51: {  	v1 =	vsel vm1, v1, v0;
	_ =	sdelay $0x4  }
0x52: {  	[hbm4b:s3+s2] =	stream.indirect_vreg.scatter [tilespmem:s22], [sflag:$0x1], $0x20, v1, vm0, $0xb8;
	[tilespmem:$0x2100] =	vst v63  }
0x53: {  	v1 =	vld [tilespmem:$0xF0];
	_ =	sdelay $0x4  }
0x54: {  	vm1 =	vlt.s32 v1, $0x80  }
0x55: {  	v1 =	vsel vm1, v1, v0;
	_ =	sdelay $0x4  }
0x56: {  	[hbm4b:s3+s2] =	stream.indirect_vreg.scatter [tilespmem:s23], [sflag:$0x1], $0x20, v1, vm0, $0xb8;
	[tilespmem:$0x2100] =	vst v63  }
0x57: {  	_ =	swait.ge [sflag:s24], $0x200  }
0x58: {  	[sflag:s24] =	ssyncset.done $0x0  }
0x59: {  	[sflag:s24] =	ssyncadd.s32 $0xFFFFFE00  }
0x5a: {  	_ =	swait.ge [sflag:s24], $0x200  }
0x5b: {  	[sflag:s24] =	ssyncset.done $0x0  }
0x5c: {  	[sflag:s24] =	ssyncadd.s32 $0xFFFFFE00  }
0x5d: {  	_ =	swait.ge [sflag:s24], $0x200  }
0x5e: {  	[sflag:s24] =	ssyncset.done $0x0  }
0x5f: {  	[sflag:s24] =	ssyncadd.s32 $0xFFFFFE00  }
0x60: {  	_ =	swait.ge [sflag:s24], $0x200  }
0x61: {  	[sflag:s24] =	ssyncset.done $0x0  }
0x62: {  	[sflag:s24] =	ssyncadd.s32 $0xFFFFFE00  }
0x63: {  	_ =	swait.ge [sflag:s24], $0x200  }
0x64: {  	[sflag:s24] =	ssyncset.done $0x0  }
0x65: {  	[sflag:s24] =	ssyncadd.s32 $0xFFFFFE00  }
0x66: {  	_ =	swait.ge [sflag:s24], $0x200  }
0x67: {  	[sflag:s24] =	ssyncset.done $0x0  }
0x68: {  	[sflag:s24] =	ssyncadd.s32 $0xFFFFFE00  }
0x69: {  	_ =	swait.ge [sflag:s24], $0x200  }
0x6a: {  	[sflag:s24] =	ssyncset.done $0x0  }
0x6b: {  	[sflag:s24] =	ssyncadd.s32 $0xFFFFFE00  }
0x6c: {  	_ =	swait.ge [sflag:s24], $0x200  }
0x6d: {  	[sflag:s24] =	ssyncset.done $0x0  }
0x6e: {  	[sflag:s24] =	ssyncadd.s32 $0xFFFFFE00  }
0x6f: {  	_ =	swait.ge [sflag:s24], $0x200  }
0x70: {  	[sflag:s24] =	ssyncset.done $0x0  }
0x71: {  	[sflag:s24] =	ssyncadd.s32 $0xFFFFFE00  }
0x72: {  	_ =	swait.ge [sflag:s24], $0x200  }
0x73: {  	[sflag:s24] =	ssyncset.done $0x0  }
0x74: {  	[sflag:s24] =	ssyncadd.s32 $0xFFFFFE00  }
0x75: {  	_ =	swait.ge [sflag:s24], $0x200  }
0x76: {  	[sflag:s24] =	ssyncset.done $0x0  }
0x77: {  	[sflag:s24] =	ssyncadd.s32 $0xFFFFFE00  }
0x78: {  	_ =	swait.ge [sflag:s24], $0x200  }
0x79: {  	[sflag:s24] =	ssyncset.done $0x0  }
0x7a: {  	[sflag:s24] =	ssyncadd.s32 $0xFFFFFE00  }
0x7b: {  	_ =	swait.ge [sflag:s24], $0x200  }
0x7c: {  	[sflag:s24] =	ssyncset.done $0x0  }
0x7d: {  	[sflag:s24] =	ssyncadd.s32 $0xFFFFFE00  }
0x7e: {  	_ =	swait.ge [sflag:s24], $0x200  }
0x7f: {  	[sflag:s24] =	ssyncset.done $0x0  }
0x80: {  	[sflag:s24] =	ssyncadd.s32 $0xFFFFFE00  }
0x81: {  	p0 =	sne.s32 s6, $0x1;
	_ =	swait.ge [sflag:s24], $0x200  }
.Ltmp0:
0x82: {  	[sflag:s24] =	ssyncset.done $0x0;
	(pc) =	sbr.rel @p0 .LBB2_1-.Ltmp0, $4  }
0x83: {  	[sflag:s24] =	ssyncadd.s32 $0xFFFFFE00  }
0x84: {  	_ =	swait.ge [sflag:s24], $0x200  }
0x85: {  	[sflag:s24] =	ssyncset.done $0x0  }
0x86: {  	s6 =	sadd.s32 $0xFFFFFFFF, s6;
	[sflag:s24] =	ssyncadd.s32 $0xFFFFFE00  }
0x87: {  	_ =	sfence.sel $0x180000  }
0x88: {  	[bflag:$0x0] =	sbarrier.arrive $0xFFFF  }
0x89: {  	p0 =	sne.s32 s1, $0x0;
	_ =	strace $0x90000047  }
0x8a: {  	s0 =	sadd.s32 @!p0 $0x100000, s0;
	[bflag:$0x2] =	sbarrier.arrive $0xFFFF  }
0x8b: {  	[sflag:s0] =	ssyncadd.tile.s32 @!p0 $0x1;
	_ =	shalt  }
.Lfunc_end2:
_tile_overlayer_lowered:
.L_overlay_start_2:
0x8c: {  	(tag) =	ssettag $0x2  }
0x8d: {  	s0 =	rddreg [dreg:$0x0];
	s2 =	stileid.u32  }
0x8e: {  	s1 =	rddreg [dreg:$0x1];
	p0 =	sne.s32 s2, $0x0  }
0x8f: {  	s3 =	rddreg [dreg:$0x2];
	[bflag:$0x3] =	sbarrier.arrive $0xFFFF;
	s2 =	simm.s32 @!p0 $0x1C02  }
0x90: {  	[timem:s3], [sflag:s2] =	dma.local @!p0 [hbm:s0], s1  }
0x91: {  	s0 =	simm.s32 @!p0 $0x2  }
0x92: {  	_ =	swait.ge @!p0 [sflag:s0], s1  }
0x93: {  	s1 =	ssub.s32 @!p0 $0x0, s1;
	[sflag:s0] =	ssyncset.done @!p0 $0x0  }
0x94: {  	[sflag:s0] =	ssyncadd.s32 @!p0 s1  }
0x95: {  	[bflag:$0x3] =	sbarrier.arrive $0xFFFF  }
0x96: {  	_ =	shalt  }

</sc_bundles>
